<compile_context>
chip_gen: v7x
topology: tpu7x:2x2x1
jax: 0.10.2.dev20260603
libtpu: 0.0.44.dev20260713+nightly
codegen_flags: <defaults>
</compile_context>

<pallas_src>
import functools

import jax
import jax.numpy as jnp
from jax import lax
from jax.experimental import pallas as pl
from jax.experimental.pallas import tpu as pltpu
from jax.experimental.pallas import tpu_sc as plsc

N = 10000
D = 128
E = 320000

NC = 2
NS = 16

A_B = 125
A_CHUNKS = E // (NC * NS * A_B)
NP = 10240
NP_TILE = NP // NS


def _deg_body(dst_hbm, out_hbm, idx_v, ones_v, zero_v, buf_v, deg_sh, sem):
    c = lax.axis_index("c")
    s = lax.axis_index("s")
    for j in range(8):
        ones_v[pl.ds(16 * j, 16)] = jnp.full((16,), 1.0, jnp.float32)
        zero_v[pl.ds(16 * j, 16)] = jnp.zeros((16,), jnp.float32)
    pltpu.async_copy(dst_hbm.at[c, s], idx_v, sem)
    for j in range(NP_TILE // 128):
        pltpu.sync_copy(zero_v, deg_sh.at[pl.ds(s * NP_TILE + j * 128, 128)])
    plsc.subcore_barrier()
    pltpu.make_async_copy(dst_hbm.at[c, s], idx_v, sem).wait()

    def body(j, carry):
        pltpu.async_copy(ones_v.at[pl.ds(0, A_B)], deg_sh.at[idx_v.at[j]],
                         sem, add=True)
        return carry

    lax.fori_loop(0, A_CHUNKS, body, 0)

    def bodyw(j, carry):
        pltpu.make_async_copy(ones_v.at[pl.ds(0, A_B)], deg_sh.at[idx_v.at[j]],
                              sem).wait()
        return carry

    lax.fori_loop(0, A_CHUNKS, bodyw, 0)
    plsc.subcore_barrier()
    pltpu.sync_copy(deg_sh.at[pl.ds(s * NP_TILE, NP_TILE)], buf_v)
    pltpu.sync_copy(buf_v, out_hbm.at[pl.ds(c * NP + s * NP_TILE, NP_TILE)])


_deg_kernel = functools.partial(
    pl.kernel,
    out_type=jax.ShapeDtypeStruct((NC * NP,), jnp.float32),
    mesh=plsc.VectorSubcoreMesh(core_axis_name="c", subcore_axis_name="s"),
    scratch_types=[
        pltpu.VMEM((A_CHUNKS, A_B), jnp.int32),
        pltpu.VMEM((128,), jnp.float32),
        pltpu.VMEM((128,), jnp.float32),
        pltpu.VMEM((NP_TILE,), jnp.float32),
        pltpu.VMEM_SHARED((NP,), jnp.float32),
        pltpu.SemaphoreType.DMA,
    ],
)(_deg_body)


C_B = 128
C_CHUNKS = 157
E_TILE = C_CHUNKS * C_B
E_PAD = NS * E_TILE
Z_ROWS = 80
ACC_ROWS = 10080
PK_ROWS = 80


def _scatter_body(y_hbm, pk_hbm, out_hbm,
                  pkv, srcw, dlocs, rows, acc_sh, sem, sem2):
    c = lax.axis_index("c")
    s = lax.axis_index("s")
    zrows = rows.at[0]

    def zb(i, carry):
        for j in range(D // 16):
            zrows[i, pl.ds(16 * j, 16)] = jnp.zeros((16,), jnp.float32)
        return carry

    lax.fori_loop(0, Z_ROWS, zb, 0)

    def zc(i, carry):
        k = s + 16 * i

        @pl.when(k < ACC_ROWS // Z_ROWS)
        def _():
            pltpu.sync_copy(zrows.at[pl.ds(0, Z_ROWS)],
                            acc_sh.at[pl.ds(Z_ROWS * k, Z_ROWS)])

        return carry

    pltpu.async_copy(pk_hbm.at[s].at[pl.ds(0, PK_ROWS)], pkv, sem2)
    lax.fori_loop(0, (ACC_ROWS // Z_ROWS + NS - 1) // NS, zc, 0)
    pltpu.make_async_copy(pk_hbm.at[s].at[pl.ds(0, PK_ROWS)], pkv, sem2).wait()
    plsc.subcore_barrier()

    def widen_src(jj, bb):
        for k in range(C_B // 16):
            v = pkv[jj, pl.ds(16 * k, 16)]
            srcw[bb, pl.ds(16 * k, 16)] = v & jnp.int32(0xFFFF)

    def widen_dst(jj):
        for k in range(C_B // 16):
            v = pkv[jj, pl.ds(16 * k, 16)]
            d = lax.shift_right_logical(v, 16)
            dlocs[pl.ds(16 * k, 16)] = jnp.where(d < N, d, jnp.int32(N))

    widen_src(0, 0)
    pltpu.async_copy(y_hbm.at[c].at[srcw.at[0]], rows.at[0], sem)

    def ebody(j, carry):
        b = lax.rem(j, 2)
        widen_dst(lax.rem(j, PK_ROWS))

        @pl.when(j == PK_ROWS - 3)
        def _():
            pltpu.async_copy(
                pk_hbm.at[s].at[pl.ds(PK_ROWS, C_CHUNKS - PK_ROWS)],
                pkv.at[pl.ds(0, C_CHUNKS - PK_ROWS)], sem2)

        @pl.when(j == PK_ROWS - 1)
        def _():
            pltpu.make_async_copy(
                pk_hbm.at[s].at[pl.ds(PK_ROWS, C_CHUNKS - PK_ROWS)],
                pkv.at[pl.ds(0, C_CHUNKS - PK_ROWS)], sem2).wait()

        @pl.when(j + 1 < C_CHUNKS)
        def _():
            widen_src(lax.rem(j + 1, PK_ROWS), 1 - b)

        pltpu.make_async_copy(
            y_hbm.at[c].at[srcw.at[b]], rows.at[b], sem).wait()

        @pl.when(j + 1 < C_CHUNKS)
        def _():
            pltpu.async_copy(
                y_hbm.at[c].at[srcw.at[1 - b]], rows.at[1 - b], sem)

        pltpu.sync_copy(rows.at[b], acc_sh.at[dlocs], add=True)
        return carry

    lax.fori_loop(0, C_CHUNKS, ebody, 0)
    plsc.subcore_barrier()

    def oc(i, carry):
        k = s + 16 * i

        @pl.when(k < N // Z_ROWS)
        def _():
            pltpu.sync_copy(acc_sh.at[pl.ds(Z_ROWS * k, Z_ROWS)],
                            out_hbm.at[c].at[pl.ds(Z_ROWS * k, Z_ROWS)])

        return carry

    lax.fori_loop(0, (N // Z_ROWS + NS - 1) // NS, oc, 0)


_scatter_kernel = functools.partial(
    pl.kernel,
    out_type=jax.ShapeDtypeStruct((NC, N, D), jnp.float32),
    mesh=plsc.VectorSubcoreMesh(core_axis_name="c", subcore_axis_name="s"),
    scratch_types=[
        pltpu.VMEM((PK_ROWS, C_B), jnp.int32),
        pltpu.VMEM((2, C_B), jnp.int32),
        pltpu.VMEM((C_B,), jnp.int32),
        pltpu.VMEM((2, C_B, D), jnp.float32),
        pltpu.VMEM_SHARED((ACC_ROWS, D), jnp.float32),
        pltpu.SemaphoreType.DMA,
        pltpu.SemaphoreType.DMA,
    ],
)(_scatter_body)


def _dinv(degp_ref):
    deg = degp_ref[pl.ds(0, N)] + degp_ref[pl.ds(NP, N)]
    return lax.rsqrt(deg + 1.0)[:, None]


def _mm_body(obj_ref, rel_ref, wo_ref, wr_ref, degp_ref, y_ref):
    dinv = _dinv(degp_ref)
    y_ref[0] = lax.dot_general(obj_ref[...], wo_ref[...],
                               (((1,), (1,)), ((), ())),
                               preferred_element_type=jnp.float32) * dinv
    y_ref[1] = lax.dot_general(rel_ref[...], wr_ref[...],
                               (((1,), (1,)), ((), ())),
                               preferred_element_type=jnp.float32) * dinv


def _mm(obj_vecs, rel_vecs, W_obj, W_rel, degp):
    return pl.pallas_call(
        _mm_body,
        out_shape=jax.ShapeDtypeStruct((NC, N, D), jnp.float32),
    )(obj_vecs, rel_vecs, W_obj, W_rel, degp)


def _fin_body(acc_ref, y_ref, degp_ref, bo_ref, br_ref, oo_ref, or_ref):
    dinv = _dinv(degp_ref)
    oo_ref[...] = jnp.maximum(
        (acc_ref[0] + y_ref[0]) * dinv + bo_ref[...][None, :], 0.0)
    or_ref[...] = jnp.maximum(
        (acc_ref[1] + y_ref[1]) * dinv + br_ref[...][None, :], 0.0)


def _fin(acc, y, degp, b_obj, b_rel):
    return pl.pallas_call(
        _fin_body,
        out_shape=(jax.ShapeDtypeStruct((N, D), jnp.float32),
                   jax.ShapeDtypeStruct((N, D), jnp.float32)),
    )(acc, y, degp, b_obj, b_rel)


def kernel(obj_vecs, rel_vecs, edge_index, W_obj, b_obj, W_rel, b_rel):
    src = edge_index[:, 0]
    dst = edge_index[:, 1]
    degp = _deg_kernel(dst.reshape(NC, NS, A_CHUNKS, A_B))
    y = _mm(obj_vecs, rel_vecs, W_obj, W_rel, degp)
    pk = jnp.left_shift(dst, 16) | src
    pad = jnp.full((E_PAD - E,), jnp.int32(0xFFFF) << 16, jnp.int32)
    pk_p = jnp.concatenate([pk, pad]).reshape(NS, C_CHUNKS, C_B)
    acc = _scatter_kernel(y, pk_p)
    return _fin(acc, y, degp, b_obj, b_rel)

# --- scband reference (transcript-rebuilt; emitter-appended) ---
"""Pipeline reference for scband-gcn-26242250178564 (READ-ONLY COPY).

The authoritative reference and input builder live on the scoring server;
editing this copy changes nothing except your own understanding.
"""

import jax, jax.numpy as jnp
import numpy as np


def gcn_conv(x, edge_index_2e, W, b):
    # Faithful PyG GCNConv: lin -> gcn_norm (with self-loops) -> scatter-add aggregate -> +bias
    N = x.shape[0]
    src = edge_index_2e[0]
    dst = edge_index_2e[1]
    loop = jnp.arange(N, dtype=src.dtype)
    src = jnp.concatenate([src, loop])
    dst = jnp.concatenate([dst, loop])
    x = x @ W.T  # PyG Linear: weight [out, in]
    ones = jnp.ones(src.shape[0], dtype=x.dtype)
    deg = jnp.zeros(N, dtype=x.dtype).at[dst].add(ones)
    deg_inv_sqrt = jnp.where(deg > 0, 1.0 / jnp.sqrt(deg), 0.0)
    norm = deg_inv_sqrt[src] * deg_inv_sqrt[dst]
    msg = x[src] * norm[:, None]
    out = jnp.zeros((N, x.shape[1]), dtype=x.dtype).at[dst].add(msg)
    return out + b


def setup_inputs(seed: int = 0) -> dict:
    key = jax.random.key(seed)
    k1, k2, k3, k4, k5, k6, k7 = jax.random.split(key, 7)
    N, d, E = 10000, 128, 320000
    obj_vecs = jax.random.normal(k1, (N, d), dtype=jnp.float32)
    rel_vecs = jax.random.normal(k2, (N, d), dtype=jnp.float32)
    edge_index = jax.random.randint(k3, (E, 2), 0, N).astype(jnp.int32)  # [E, 2]
    scale = 1.0 / np.sqrt(d)
    W_obj = jax.random.normal(k4, (d, d), dtype=jnp.float32) * scale
    b_obj = jnp.zeros((d,), dtype=jnp.float32)
    W_rel = jax.random.normal(k5, (d, d), dtype=jnp.float32) * scale
    b_rel = jnp.zeros((d,), dtype=jnp.float32)
    return {"obj_vecs": obj_vecs, "rel_vecs": rel_vecs, "edge_index": edge_index,
            "W_obj": W_obj, "b_obj": b_obj, "W_rel": W_rel, "b_rel": b_rel}


def reference(obj_vecs, rel_vecs, edge_index, W_obj, b_obj, W_rel, b_rel):
    ei = edge_index.T  # forward does edge_index.t() -> [2, E]
    obj_out = jax.nn.relu(gcn_conv(obj_vecs, ei, W_obj, b_obj))
    rel_out = jax.nn.relu(gcn_conv(rel_vecs, ei, W_rel, b_rel))
    return (obj_out, rel_out)

if __name__ == "__main__":
    import jax
    _d = setup_inputs()
    print(jax.jit(kernel)(*tuple(_d.values())))

</pallas_src>

<mosaic_0001>
#map = affine_map<(d0, d1) -> (0, 0, 0, 0)>
#map1 = affine_map<(d0, d1) -> (0)>
module attributes {stable_mosaic.version = 14 : i64} {
  func.func @_deg_body(%arg0: i32, %arg1: i32, %arg2: memref<2x16x80x125xi32, #tpu.memory_space<hbm>>, %arg3: memref<20480xf32, #tpu.memory_space<hbm>>, %arg4: memref<80x125xi32, #tpu.memory_space<vmem>>, %arg5: memref<128xf32, #tpu.memory_space<vmem>>, %arg6: memref<128xf32, #tpu.memory_space<vmem>>, %arg7: memref<640xf32, #tpu.memory_space<vmem>>, %arg8: memref<10240xf32, #tpu.memory_space<vmem_shared>>, %arg9: memref<!tpu.dma_semaphore, #tpu.memory_space<semaphore_mem>>) attributes {dimension_semantics = [#tpu.dimension_semantics<core_parallel>, #tpu.dimension_semantics<subcore_parallel>], iteration_bounds = array<i64: 2, 16>, scalar_prefetch = 0 : i64, scratch_operands = 6 : i64, tpu.core_type = #tpu.core_type<sc_vector_subcore>, window_params = [{transform_indices = #map}, {transform_indices = #map1}]} {
    %broadcast_in_dim3A = arith.constant 1.000000e+00 : f32
    %broadcast_in_dim3A_0 = vector.broadcast %broadcast_in_dim3A : f32 to vector<16xf32>
    %swap3A = arith.constant 0 : index
    %swap3A_1 = tpu.vector_load %arg5[%swap3A] {strides = array<i32>} : memref<128xf32, #tpu.memory_space<vmem>>, vector<16xf32>,
    %swap3A_2 = vector.shape_cast %swap3A_1 : vector<16xf32> to vector<16xf32>
    %swap3A_3 = vector.shape_cast %broadcast_in_dim3A_0 : vector<16xf32> to vector<16xf32>
    tpu.vector_store %arg5[%swap3A], %swap3A_3 {strides = array<i32>} : memref<128xf32, #tpu.memory_space<vmem>>, vector<16xf32>,
    %broadcast_in_dim3A_4 = arith.constant 0.000000e+00 : f32
    %broadcast_in_dim3A_5 = vector.broadcast %broadcast_in_dim3A_4 : f32 to vector<16xf32>
    %swap3A_6 = arith.constant 0 : index
    %swap3A_7 = tpu.vector_load %arg6[%swap3A_6] {strides = array<i32>} : memref<128xf32, #tpu.memory_space<vmem>>, vector<16xf32>,
    %swap3A_8 = vector.shape_cast %swap3A_7 : vector<16xf32> to vector<16xf32>
    %swap3A_9 = vector.shape_cast %broadcast_in_dim3A_5 : vector<16xf32> to vector<16xf32>
    tpu.vector_store %arg6[%swap3A_6], %swap3A_9 {strides = array<i32>} : memref<128xf32, #tpu.memory_space<vmem>>, vector<16xf32>,
    %broadcast_in_dim3A_10 = arith.constant 1.000000e+00 : f32
    %broadcast_in_dim3A_11 = vector.broadcast %broadcast_in_dim3A_10 : f32 to vector<16xf32>
    %swap3A_12 = arith.constant 16 : index
    %swap3A_13 = tpu.vector_load %arg5[%swap3A_12] {strides = array<i32>} : memref<128xf32, #tpu.memory_space<vmem>>, vector<16xf32>,
    %swap3A_14 = vector.shape_cast %swap3A_13 : vector<16xf32> to vector<16xf32>
    %swap3A_15 = vector.shape_cast %broadcast_in_dim3A_11 : vector<16xf32> to vector<16xf32>
    tpu.vector_store %arg5[%swap3A_12], %swap3A_15 {strides = array<i32>} : memref<128xf32, #tpu.memory_space<vmem>>, vector<16xf32>,
    %broadcast_in_dim3A_16 = arith.constant 0.000000e+00 : f32
    %broadcast_in_dim3A_17 = vector.broadcast %broadcast_in_dim3A_16 : f32 to vector<16xf32>
    %swap3A_18 = arith.constant 16 : index
    %swap3A_19 = tpu.vector_load %arg6[%swap3A_18] {strides = array<i32>} : memref<128xf32, #tpu.memory_space<vmem>>, vector<16xf32>,
    %swap3A_20 = vector.shape_cast %swap3A_19 : vector<16xf32> to vector<16xf32>
    %swap3A_21 = vector.shape_cast %broadcast_in_dim3A_17 : vector<16xf32> to vector<16xf32>
    tpu.vector_store %arg6[%swap3A_18], %swap3A_21 {strides = array<i32>} : memref<128xf32, #tpu.memory_space<vmem>>, vector<16xf32>,
    %broadcast_in_dim3A_22 = arith.constant 1.000000e+00 : f32
    %broadcast_in_dim3A_23 = vector.broadcast %broadcast_in_dim3A_22 : f32 to vector<16xf32>
    %swap3A_24 = arith.constant 32 : index
    %swap3A_25 = tpu.vector_load %arg5[%swap3A_24] {strides = array<i32>} : memref<128xf32, #tpu.memory_space<vmem>>, vector<16xf32>,
    %swap3A_26 = vector.shape_cast %swap3A_25 : vector<16xf32> to vector<16xf32>
    %swap3A_27 = vector.shape_cast %broadcast_in_dim3A_23 : vector<16xf32> to vector<16xf32>
    tpu.vector_store %arg5[%swap3A_24], %swap3A_27 {strides = array<i32>} : memref<128xf32, #tpu.memory_space<vmem>>, vector<16xf32>,
    %broadcast_in_dim3A_28 = arith.constant 0.000000e+00 : f32
    %broadcast_in_dim3A_29 = vector.broadcast %broadcast_in_dim3A_28 : f32 to vector<16xf32>
    %swap3A_30 = arith.constant 32 : index
    %swap3A_31 = tpu.vector_load %arg6[%swap3A_30] {strides = array<i32>} : memref<128xf32, #tpu.memory_space<vmem>>, vector<16xf32>,
    %swap3A_32 = vector.shape_cast %swap3A_31 : vector<16xf32> to vector<16xf32>
    %swap3A_33 = vector.shape_cast %broadcast_in_dim3A_29 : vector<16xf32> to vector<16xf32>
    tpu.vector_store %arg6[%swap3A_30], %swap3A_33 {strides = array<i32>} : memref<128xf32, #tpu.memory_space<vmem>>, vector<16xf32>,
    %broadcast_in_dim3A_34 = arith.constant 1.000000e+00 : f32
    %broadcast_in_dim3A_35 = vector.broadcast %broadcast_in_dim3A_34 : f32 to vector<16xf32>
    %swap3A_36 = arith.constant 48 : index
    %swap3A_37 = tpu.vector_load %arg5[%swap3A_36] {strides = array<i32>} : memref<128xf32, #tpu.memory_space<vmem>>, vector<16xf32>,
    %swap3A_38 = vector.shape_cast %swap3A_37 : vector<16xf32> to vector<16xf32>
    %swap3A_39 = vector.shape_cast %broadcast_in_dim3A_35 : vector<16xf32> to vector<16xf32>
    tpu.vector_store %arg5[%swap3A_36], %swap3A_39 {strides = array<i32>} : memref<128xf32, #tpu.memory_space<vmem>>, vector<16xf32>,
    %broadcast_in_dim3A_40 = arith.constant 0.000000e+00 : f32
    %broadcast_in_dim3A_41 = vector.broadcast %broadcast_in_dim3A_40 : f32 to vector<16xf32>
    %swap3A_42 = arith.constant 48 : index
    %swap3A_43 = tpu.vector_load %arg6[%swap3A_42] {strides = array<i32>} : memref<128xf32, #tpu.memory_space<vmem>>, vector<16xf32>,
    %swap3A_44 = vector.shape_cast %swap3A_43 : vector<16xf32> to vector<16xf32>
    %swap3A_45 = vector.shape_cast %broadcast_in_dim3A_41 : vector<16xf32> to vector<16xf32>
    tpu.vector_store %arg6[%swap3A_42], %swap3A_45 {strides = array<i32>} : memref<128xf32, #tpu.memory_space<vmem>>, vector<16xf32>,
    %broadcast_in_dim3A_46 = arith.constant 1.000000e+00 : f32
    %broadcast_in_dim3A_47 = vector.broadcast %broadcast_in_dim3A_46 : f32 to vector<16xf32>
    %swap3A_48 = arith.constant 64 : index
    %swap3A_49 = tpu.vector_load %arg5[%swap3A_48] {strides = array<i32>} : memref<128xf32, #tpu.memory_space<vmem>>, vector<16xf32>,
    %swap3A_50 = vector.shape_cast %swap3A_49 : vector<16xf32> to vector<16xf32>
    %swap3A_51 = vector.shape_cast %broadcast_in_dim3A_47 : vector<16xf32> to vector<16xf32>
    tpu.vector_store %arg5[%swap3A_48], %swap3A_51 {strides = array<i32>} : memref<128xf32, #tpu.memory_space<vmem>>, vector<16xf32>,
    %broadcast_in_dim3A_52 = arith.constant 0.000000e+00 : f32
    %broadcast_in_dim3A_53 = vector.broadcast %broadcast_in_dim3A_52 : f32 to vector<16xf32>
    %swap3A_54 = arith.constant 64 : index
    %swap3A_55 = tpu.vector_load %arg6[%swap3A_54] {strides = array<i32>} : memref<128xf32, #tpu.memory_space<vmem>>, vector<16xf32>,
    %swap3A_56 = vector.shape_cast %swap3A_55 : vector<16xf32> to vector<16xf32>
    %swap3A_57 = vector.shape_cast %broadcast_in_dim3A_53 : vector<16xf32> to vector<16xf32>
    tpu.vector_store %arg6[%swap3A_54], %swap3A_57 {strides = array<i32>} : memref<128xf32, #tpu.memory_space<vmem>>, vector<16xf32>,
    %broadcast_in_dim3A_58 = arith.constant 1.000000e+00 : f32
    %broadcast_in_dim3A_59 = vector.broadcast %broadcast_in_dim3A_58 : f32 to vector<16xf32>
    %swap3A_60 = arith.constant 80 : index
    %swap3A_61 = tpu.vector_load %arg5[%swap3A_60] {strides = array<i32>} : memref<128xf32, #tpu.memory_space<vmem>>, vector<16xf32>,
    %swap3A_62 = vector.shape_cast %swap3A_61 : vector<16xf32> to vector<16xf32>
    %swap3A_63 = vector.shape_cast %broadcast_in_dim3A_59 : vector<16xf32> to vector<16xf32>
    tpu.vector_store %arg5[%swap3A_60], %swap3A_63 {strides = array<i32>} : memref<128xf32, #tpu.memory_space<vmem>>, vector<16xf32>,
    %broadcast_in_dim3A_64 = arith.constant 0.000000e+00 : f32
    %broadcast_in_dim3A_65 = vector.broadcast %broadcast_in_dim3A_64 : f32 to vector<16xf32>
    %swap3A_66 = arith.constant 80 : index
    %swap3A_67 = tpu.vector_load %arg6[%swap3A_66] {strides = array<i32>} : memref<128xf32, #tpu.memory_space<vmem>>, vector<16xf32>,
    %swap3A_68 = vector.shape_cast %swap3A_67 : vector<16xf32> to vector<16xf32>
    %swap3A_69 = vector.shape_cast %broadcast_in_dim3A_65 : vector<16xf32> to vector<16xf32>
    tpu.vector_store %arg6[%swap3A_66], %swap3A_69 {strides = array<i32>} : memref<128xf32, #tpu.memory_space<vmem>>, vector<16xf32>,
    %broadcast_in_dim3A_70 = arith.constant 1.000000e+00 : f32
    %broadcast_in_dim3A_71 = vector.broadcast %broadcast_in_dim3A_70 : f32 to vector<16xf32>
    %swap3A_72 = arith.constant 96 : index
    %swap3A_73 = tpu.vector_load %arg5[%swap3A_72] {strides = array<i32>} : memref<128xf32, #tpu.memory_space<vmem>>, vector<16xf32>,
    %swap3A_74 = vector.shape_cast %swap3A_73 : vector<16xf32> to vector<16xf32>
    %swap3A_75 = vector.shape_cast %broadcast_in_dim3A_71 : vector<16xf32> to vector<16xf32>
    tpu.vector_store %arg5[%swap3A_72], %swap3A_75 {strides = array<i32>} : memref<128xf32, #tpu.memory_space<vmem>>, vector<16xf32>,
    %broadcast_in_dim3A_76 = arith.constant 0.000000e+00 : f32
    %broadcast_in_dim3A_77 = vector.broadcast %broadcast_in_dim3A_76 : f32 to vector<16xf32>
    %swap3A_78 = arith.constant 96 : index
    %swap3A_79 = tpu.vector_load %arg6[%swap3A_78] {strides = array<i32>} : memref<128xf32, #tpu.memory_space<vmem>>, vector<16xf32>,
    %swap3A_80 = vector.shape_cast %swap3A_79 : vector<16xf32> to vector<16xf32>
    %swap3A_81 = vector.shape_cast %broadcast_in_dim3A_77 : vector<16xf32> to vector<16xf32>
    tpu.vector_store %arg6[%swap3A_78], %swap3A_81 {strides = array<i32>} : memref<128xf32, #tpu.memory_space<vmem>>, vector<16xf32>,
    %broadcast_in_dim3A_82 = arith.constant 1.000000e+00 : f32
    %broadcast_in_dim3A_83 = vector.broadcast %broadcast_in_dim3A_82 : f32 to vector<16xf32>
    %swap3A_84 = arith.constant 112 : index
    %swap3A_85 = tpu.vector_load %arg5[%swap3A_84] {strides = array<i32>} : memref<128xf32, #tpu.memory_space<vmem>>, vector<16xf32>,
    %swap3A_86 = vector.shape_cast %swap3A_85 : vector<16xf32> to vector<16xf32>
    %swap3A_87 = vector.shape_cast %broadcast_in_dim3A_83 : vector<16xf32> to vector<16xf32>
    tpu.vector_store %arg5[%swap3A_84], %swap3A_87 {strides = array<i32>} : memref<128xf32, #tpu.memory_space<vmem>>, vector<16xf32>,
    %broadcast_in_dim3A_88 = arith.constant 0.000000e+00 : f32
    %broadcast_in_dim3A_89 = vector.broadcast %broadcast_in_dim3A_88 : f32 to vector<16xf32>
    %swap3A_90 = arith.constant 112 : index
    %swap3A_91 = tpu.vector_load %arg6[%swap3A_90] {strides = array<i32>} : memref<128xf32, #tpu.memory_space<vmem>>, vector<16xf32>,
    %swap3A_92 = vector.shape_cast %swap3A_91 : vector<16xf32> to vector<16xf32>
    %swap3A_93 = vector.shape_cast %broadcast_in_dim3A_89 : vector<16xf32> to vector<16xf32>
    tpu.vector_store %arg6[%swap3A_90], %swap3A_93 {strides = array<i32>} : memref<128xf32, #tpu.memory_space<vmem>>, vector<16xf32>,
    %dma_start3A = arith.constant 0 : i32
    %dma_start3A_94 = arith.constant 0 : i32
    %dma_start3A_95 = tpu.memref_slice %arg2[%arg0, %arg1, %dma_start3A, %dma_start3A_94] : memref<2x16x80x125xi32, #tpu.memory_space<hbm>> -> memref<1x1x80x125xi32, #tpu.memory_space<hbm>>
    %dma_start3A_96 = tpu.memref_squeeze %dma_start3A_95 : memref<1x1x80x125xi32, #tpu.memory_space<hbm>> -> memref<80x125xi32, #tpu.memory_space<hbm>>
    %dma_start3A_97 = arith.constant 0 : i32
    %dma_start3A_98 = arith.constant 0 : i32
    %dma_start3A_99 = tpu.memref_slice %arg2[%arg0, %arg1, %dma_start3A_97, %dma_start3A_98] : memref<2x16x80x125xi32, #tpu.memory_space<hbm>> -> memref<1x1x80x125xi32, #tpu.memory_space<hbm>>
    %dma_start3A_100 = tpu.memref_squeeze %dma_start3A_99 : memref<1x1x80x125xi32, #tpu.memory_space<hbm>> -> memref<80x125xi32, #tpu.memory_space<hbm>>
    tpu.enqueue_dma source(%dma_start3A_100 : memref<80x125xi32, #tpu.memory_space<hbm>>) target(%arg4 : memref<80x125xi32, #tpu.memory_space<vmem>>) target_semaphore(%arg9 : memref<!tpu.dma_semaphore, #tpu.memory_space<semaphore_mem>>)
    %mul3A = arith.constant 640 : i32
    %mul3A_101 = arith.muli %arg1, %mul3A : i32
    %add3A = arith.constant 0 : i32
    %add3A_102 = arith.addi %mul3A_101, %add3A : i32
    "tpu.region"() ({
      %run_scoped3A = tpu.sem_alloc : memref<!tpu.dma_semaphore, #tpu.memory_space<semaphore_mem>>
      %dma_start3A_145 = tpu.memref_slice %arg8[%add3A_102] : memref<10240xf32, #tpu.memory_space<vmem_shared>> -> memref<128xf32, #tpu.memory_space<vmem_shared>>
      %dma_start3A_146 = tpu.memref_slice %arg8[%add3A_102] : memref<10240xf32, #tpu.memory_space<vmem_shared>> -> memref<128xf32, #tpu.memory_space<vmem_shared>>
      tpu.enqueue_dma source(%arg6 : memref<128xf32, #tpu.memory_space<vmem>>) target(%dma_start3A_146 : memref<128xf32, #tpu.memory_space<vmem_shared>>) target_semaphore(%run_scoped3A : memref<!tpu.dma_semaphore, #tpu.memory_space<semaphore_mem>>)
      %dma_wait3A_147 = tpu.memref_slice %arg8[%add3A_102] : memref<10240xf32, #tpu.memory_space<vmem_shared>> -> memref<128xf32, #tpu.memory_space<vmem_shared>>
      %dma_wait3A_148 = tpu.memref_slice %arg8[%add3A_102] : memref<10240xf32, #tpu.memory_space<vmem_shared>> -> memref<128xf32, #tpu.memory_space<vmem_shared>>
      tpu.wait_dma2 semaphore(%run_scoped3A : memref<!tpu.dma_semaphore, #tpu.memory_space<semaphore_mem>>) src(%arg6 : memref<128xf32, #tpu.memory_space<vmem>>) dst(%dma_wait3A_148 : memref<128xf32, #tpu.memory_space<vmem_shared>>)
      tpu.yield
    }) : () -> ()
    %mul3A_103 = arith.constant 640 : i32
    %mul3A_104 = arith.muli %arg1, %mul3A_103 : i32
    %add3A_105 = arith.constant 128 : i32
    %add3A_106 = arith.addi %mul3A_104, %add3A_105 : i32
    "tpu.region"() ({
      %run_scoped3A = tpu.sem_alloc : memref<!tpu.dma_semaphore, #tpu.memory_space<semaphore_mem>>
      %dma_start3A_145 = tpu.memref_slice %arg8[%add3A_106] : memref<10240xf32, #tpu.memory_space<vmem_shared>> -> memref<128xf32, #tpu.memory_space<vmem_shared>>
      %dma_start3A_146 = tpu.memref_slice %arg8[%add3A_106] : memref<10240xf32, #tpu.memory_space<vmem_shared>> -> memref<128xf32, #tpu.memory_space<vmem_shared>>
      tpu.enqueue_dma source(%arg6 : memref<128xf32, #tpu.memory_space<vmem>>) target(%dma_start3A_146 : memref<128xf32, #tpu.memory_space<vmem_shared>>) target_semaphore(%run_scoped3A : memref<!tpu.dma_semaphore, #tpu.memory_space<semaphore_mem>>)
      %dma_wait3A_147 = tpu.memref_slice %arg8[%add3A_106] : memref<10240xf32, #tpu.memory_space<vmem_shared>> -> memref<128xf32, #tpu.memory_space<vmem_shared>>
      %dma_wait3A_148 = tpu.memref_slice %arg8[%add3A_106] : memref<10240xf32, #tpu.memory_space<vmem_shared>> -> memref<128xf32, #tpu.memory_space<vmem_shared>>
      tpu.wait_dma2 semaphore(%run_scoped3A : memref<!tpu.dma_semaphore, #tpu.memory_space<semaphore_mem>>) src(%arg6 : memref<128xf32, #tpu.memory_space<vmem>>) dst(%dma_wait3A_148 : memref<128xf32, #tpu.memory_space<vmem_shared>>)
      tpu.yield
    }) : () -> ()
    %mul3A_107 = arith.constant 640 : i32
    %mul3A_108 = arith.muli %arg1, %mul3A_107 : i32
    %add3A_109 = arith.constant 256 : i32
    %add3A_110 = arith.addi %mul3A_108, %add3A_109 : i32
    "tpu.region"() ({
      %run_scoped3A = tpu.sem_alloc : memref<!tpu.dma_semaphore, #tpu.memory_space<semaphore_mem>>
      %dma_start3A_145 = tpu.memref_slice %arg8[%add3A_110] : memref<10240xf32, #tpu.memory_space<vmem_shared>> -> memref<128xf32, #tpu.memory_space<vmem_shared>>
      %dma_start3A_146 = tpu.memref_slice %arg8[%add3A_110] : memref<10240xf32, #tpu.memory_space<vmem_shared>> -> memref<128xf32, #tpu.memory_space<vmem_shared>>
      tpu.enqueue_dma source(%arg6 : memref<128xf32, #tpu.memory_space<vmem>>) target(%dma_start3A_146 : memref<128xf32, #tpu.memory_space<vmem_shared>>) target_semaphore(%run_scoped3A : memref<!tpu.dma_semaphore, #tpu.memory_space<semaphore_mem>>)
      %dma_wait3A_147 = tpu.memref_slice %arg8[%add3A_110] : memref<10240xf32, #tpu.memory_space<vmem_shared>> -> memref<128xf32, #tpu.memory_space<vmem_shared>>
      %dma_wait3A_148 = tpu.memref_slice %arg8[%add3A_110] : memref<10240xf32, #tpu.memory_space<vmem_shared>> -> memref<128xf32, #tpu.memory_space<vmem_shared>>
      tpu.wait_dma2 semaphore(%run_scoped3A : memref<!tpu.dma_semaphore, #tpu.memory_space<semaphore_mem>>) src(%arg6 : memref<128xf32, #tpu.memory_space<vmem>>) dst(%dma_wait3A_148 : memref<128xf32, #tpu.memory_space<vmem_shared>>)
      tpu.yield
    }) : () -> ()
    %mul3A_111 = arith.constant 640 : i32
    %mul3A_112 = arith.muli %arg1, %mul3A_111 : i32
    %add3A_113 = arith.constant 384 : i32
    %add3A_114 = arith.addi %mul3A_112, %add3A_113 : i32
    "tpu.region"() ({
      %run_scoped3A = tpu.sem_alloc : memref<!tpu.dma_semaphore, #tpu.memory_space<semaphore_mem>>
      %dma_start3A_145 = tpu.memref_slice %arg8[%add3A_114] : memref<10240xf32, #tpu.memory_space<vmem_shared>> -> memref<128xf32, #tpu.memory_space<vmem_shared>>
      %dma_start3A_146 = tpu.memref_slice %arg8[%add3A_114] : memref<10240xf32, #tpu.memory_space<vmem_shared>> -> memref<128xf32, #tpu.memory_space<vmem_shared>>
      tpu.enqueue_dma source(%arg6 : memref<128xf32, #tpu.memory_space<vmem>>) target(%dma_start3A_146 : memref<128xf32, #tpu.memory_space<vmem_shared>>) target_semaphore(%run_scoped3A : memref<!tpu.dma_semaphore, #tpu.memory_space<semaphore_mem>>)
      %dma_wait3A_147 = tpu.memref_slice %arg8[%add3A_114] : memref<10240xf32, #tpu.memory_space<vmem_shared>> -> memref<128xf32, #tpu.memory_space<vmem_shared>>
      %dma_wait3A_148 = tpu.memref_slice %arg8[%add3A_114] : memref<10240xf32, #tpu.memory_space<vmem_shared>> -> memref<128xf32, #tpu.memory_space<vmem_shared>>
      tpu.wait_dma2 semaphore(%run_scoped3A : memref<!tpu.dma_semaphore, #tpu.memory_space<semaphore_mem>>) src(%arg6 : memref<128xf32, #tpu.memory_space<vmem>>) dst(%dma_wait3A_148 : memref<128xf32, #tpu.memory_space<vmem_shared>>)
      tpu.yield
    }) : () -> ()
    %mul3A_115 = arith.constant 640 : i32
    %mul3A_116 = arith.muli %arg1, %mul3A_115 : i32
    %add3A_117 = arith.constant 512 : i32
    %add3A_118 = arith.addi %mul3A_116, %add3A_117 : i32
    "tpu.region"() ({
      %run_scoped3A = tpu.sem_alloc : memref<!tpu.dma_semaphore, #tpu.memory_space<semaphore_mem>>
      %dma_start3A_145 = tpu.memref_slice %arg8[%add3A_118] : memref<10240xf32, #tpu.memory_space<vmem_shared>> -> memref<128xf32, #tpu.memory_space<vmem_shared>>
      %dma_start3A_146 = tpu.memref_slice %arg8[%add3A_118] : memref<10240xf32, #tpu.memory_space<vmem_shared>> -> memref<128xf32, #tpu.memory_space<vmem_shared>>
      tpu.enqueue_dma source(%arg6 : memref<128xf32, #tpu.memory_space<vmem>>) target(%dma_start3A_146 : memref<128xf32, #tpu.memory_space<vmem_shared>>) target_semaphore(%run_scoped3A : memref<!tpu.dma_semaphore, #tpu.memory_space<semaphore_mem>>)
      %dma_wait3A_147 = tpu.memref_slice %arg8[%add3A_118] : memref<10240xf32, #tpu.memory_space<vmem_shared>> -> memref<128xf32, #tpu.memory_space<vmem_shared>>
      %dma_wait3A_148 = tpu.memref_slice %arg8[%add3A_118] : memref<10240xf32, #tpu.memory_space<vmem_shared>> -> memref<128xf32, #tpu.memory_space<vmem_shared>>
      tpu.wait_dma2 semaphore(%run_scoped3A : memref<!tpu.dma_semaphore, #tpu.memory_space<semaphore_mem>>) src(%arg6 : memref<128xf32, #tpu.memory_space<vmem>>) dst(%dma_wait3A_148 : memref<128xf32, #tpu.memory_space<vmem_shared>>)
      tpu.yield
    }) : () -> ()
    %barrier3A = arith.constant 0 : index
    tpu.barrier barrier_id(%barrier3A)
    %dma_wait3A = arith.constant 0 : i32
    %dma_wait3A_119 = arith.constant 0 : i32
    %dma_wait3A_120 = tpu.memref_slice %arg2[%arg0, %arg1, %dma_wait3A, %dma_wait3A_119] : memref<2x16x80x125xi32, #tpu.memory_space<hbm>> -> memref<1x1x80x125xi32, #tpu.memory_space<hbm>>
    %dma_wait3A_121 = tpu.memref_squeeze %dma_wait3A_120 : memref<1x1x80x125xi32, #tpu.memory_space<hbm>> -> memref<80x125xi32, #tpu.memory_space<hbm>>
    %dma_wait3A_122 = arith.constant 0 : i32
    %dma_wait3A_123 = arith.constant 0 : i32
    %dma_wait3A_124 = tpu.memref_slice %arg2[%arg0, %arg1, %dma_wait3A_122, %dma_wait3A_123] : memref<2x16x80x125xi32, #tpu.memory_space<hbm>> -> memref<1x1x80x125xi32, #tpu.memory_space<hbm>>
    %dma_wait3A_125 = tpu.memref_squeeze %dma_wait3A_124 : memref<1x1x80x125xi32, #tpu.memory_space<hbm>> -> memref<80x125xi32, #tpu.memory_space<hbm>>
    tpu.wait_dma2 semaphore(%arg9 : memref<!tpu.dma_semaphore, #tpu.memory_space<semaphore_mem>>) src(%dma_wait3A_125 : memref<80x125xi32, #tpu.memory_space<hbm>>) dst(%arg4 : memref<80x125xi32, #tpu.memory_space<vmem>>)
    %scan3A = arith.constant 0 : i32
    %scan3A_126 = arith.constant 0 : i32
    %scan3A_127 = arith.constant 80 : i32
    %scan3A_128 = arith.addi %scan3A_126, %scan3A_127 : i32
    %scan3A_129 = arith.constant 1 : i32
    scf.for %scan3A_145 = %scan3A_126 to %scan3A_128 step %scan3A_129  : i32 {
      %dma_start3A_146 = arith.constant 0 : i32
      %dma_start3A_147 = tpu.memref_slice %arg5[%dma_start3A_146] : memref<128xf32, #tpu.memory_space<vmem>> -> memref<125xf32, #tpu.memory_space<vmem>>
      %dma_start3A_148 = arith.constant 0 : i32
      %dma_start3A_149 = tpu.memref_slice %arg4[%scan3A_145, %dma_start3A_148] : memref<80x125xi32, #tpu.memory_space<vmem>> -> memref<1x125xi32, #tpu.memory_space<vmem>>
      %dma_start3A_150 = tpu.memref_squeeze %dma_start3A_149 : memref<1x125xi32, #tpu.memory_space<vmem>> -> memref<125xi32, #tpu.memory_space<vmem>>
      %dma_start3A_151 = arith.constant 0 : i32
      %dma_start3A_152 = tpu.memref_slice %arg8[%dma_start3A_151] : memref<10240xf32, #tpu.memory_space<vmem_shared>> -> memref<10240xf32, #tpu.memory_space<vmem_shared>>
      tpu.enqueue_indirect_dma source(%dma_start3A_147 : memref<125xf32, #tpu.memory_space<vmem>>) target(%dma_start3A_152 : memref<10240xf32, #tpu.memory_space<vmem_shared>>) offsets(%dma_start3A_150 : memref<125xi32, #tpu.memory_space<vmem>>) semaphore(%arg9 : memref<!tpu.dma_semaphore, #tpu.memory_space<semaphore_mem>>) {add = true}
    }
    %scan3A_130 = arith.constant 80 : i32
    %scan3A_131 = arith.constant 0 : i32
    %scan3A_132 = arith.constant 0 : i32
    %scan3A_133 = arith.constant 80 : i32
    %scan3A_134 = arith.addi %scan3A_132, %scan3A_133 : i32
    %scan3A_135 = arith.constant 1 : i32
    scf.for %scan3A_145 = %scan3A_132 to %scan3A_134 step %scan3A_135  : i32 {
      %dma_wait3A_146 = arith.constant 0 : i32
      %dma_wait3A_147 = tpu.memref_slice %arg5[%dma_wait3A_146] : memref<128xf32, #tpu.memory_space<vmem>> -> memref<125xf32, #tpu.memory_space<vmem>>
      %dma_wait3A_148 = arith.constant 0 : i32
      %dma_wait3A_149 = tpu.memref_slice %arg4[%scan3A_145, %dma_wait3A_148] : memref<80x125xi32, #tpu.memory_space<vmem>> -> memref<1x125xi32, #tpu.memory_space<vmem>>
      %dma_wait3A_150 = tpu.memref_squeeze %dma_wait3A_149 : memref<1x125xi32, #tpu.memory_space<vmem>> -> memref<125xi32, #tpu.memory_space<vmem>>
      %dma_wait3A_151 = arith.constant 0 : i32
      %dma_wait3A_152 = tpu.memref_slice %arg8[%dma_wait3A_151] : memref<10240xf32, #tpu.memory_space<vmem_shared>> -> memref<10240xf32, #tpu.memory_space<vmem_shared>>
      tpu.wait_indirect_dma semaphore(%arg9 : memref<!tpu.dma_semaphore, #tpu.memory_space<semaphore_mem>>) src(%dma_wait3A_147 : memref<125xf32, #tpu.memory_space<vmem>>) dst(%dma_wait3A_152 : memref<10240xf32, #tpu.memory_space<vmem_shared>>)
    }
    %scan3A_136 = arith.constant 80 : i32
    %barrier3A_137 = arith.constant 0 : index
    tpu.barrier barrier_id(%barrier3A_137)
    %mul3A_138 = arith.constant 640 : i32
    %mul3A_139 = arith.muli %arg1, %mul3A_138 : i32
    "tpu.region"() ({
      %run_scoped3A = tpu.sem_alloc : memref<!tpu.dma_semaphore, #tpu.memory_space<semaphore_mem>>
      %dma_start3A_145 = tpu.memref_slice %arg8[%mul3A_139] : memref<10240xf32, #tpu.memory_space<vmem_shared>> -> memref<640xf32, #tpu.memory_space<vmem_shared>>
      %dma_start3A_146 = tpu.memref_slice %arg8[%mul3A_139] : memref<10240xf32, #tpu.memory_space<vmem_shared>> -> memref<640xf32, #tpu.memory_space<vmem_shared>>
      tpu.enqueue_dma source(%dma_start3A_146 : memref<640xf32, #tpu.memory_space<vmem_shared>>) target(%arg7 : memref<640xf32, #tpu.memory_space<vmem>>) target_semaphore(%run_scoped3A : memref<!tpu.dma_semaphore, #tpu.memory_space<semaphore_mem>>)
      %dma_wait3A_147 = tpu.memref_slice %arg8[%mul3A_139] : memref<10240xf32, #tpu.memory_space<vmem_shared>> -> memref<640xf32, #tpu.memory_space<vmem_shared>>
      %dma_wait3A_148 = tpu.memref_slice %arg8[%mul3A_139] : memref<10240xf32, #tpu.memory_space<vmem_shared>> -> memref<640xf32, #tpu.memory_space<vmem_shared>>
      tpu.wait_dma2 semaphore(%run_scoped3A : memref<!tpu.dma_semaphore, #tpu.memory_space<semaphore_mem>>) src(%dma_wait3A_148 : memref<640xf32, #tpu.memory_space<vmem_shared>>) dst(%arg7 : memref<640xf32, #tpu.memory_space<vmem>>)
      tpu.yield
    }) : () -> ()
    %mul3A_140 = arith.constant 10240 : i32
    %mul3A_141 = arith.muli %arg0, %mul3A_140 : i32
    %mul3A_142 = arith.constant 640 : i32
    %mul3A_143 = arith.muli %arg1, %mul3A_142 : i32
    %add3A_144 = arith.addi %mul3A_141, %mul3A_143 : i32
    "tpu.region"() ({
      %run_scoped3A = tpu.sem_alloc : memref<!tpu.dma_semaphore, #tpu.memory_space<semaphore_mem>>
      %dma_start3A_145 = tpu.memref_slice %arg3[%add3A_144] : memref<20480xf32, #tpu.memory_space<hbm>> -> memref<640xf32, #tpu.memory_space<hbm>>
      %dma_start3A_146 = tpu.memref_slice %arg3[%add3A_144] : memref<20480xf32, #tpu.memory_space<hbm>> -> memref<640xf32, #tpu.memory_space<hbm>>
      tpu.enqueue_dma source(%arg7 : memref<640xf32, #tpu.memory_space<vmem>>) target(%dma_start3A_146 : memref<640xf32, #tpu.memory_space<hbm>>) target_semaphore(%run_scoped3A : memref<!tpu.dma_semaphore, #tpu.memory_space<semaphore_mem>>)
      %dma_wait3A_147 = tpu.memref_slice %arg3[%add3A_144] : memref<20480xf32, #tpu.memory_space<hbm>> -> memref<640xf32, #tpu.memory_space<hbm>>
      %dma_wait3A_148 = tpu.memref_slice %arg3[%add3A_144] : memref<20480xf32, #tpu.memory_space<hbm>> -> memref<640xf32, #tpu.memory_space<hbm>>
      tpu.wait_dma2 semaphore(%run_scoped3A : memref<!tpu.dma_semaphore, #tpu.memory_space<semaphore_mem>>) src(%arg7 : memref<640xf32, #tpu.memory_space<vmem>>) dst(%dma_wait3A_148 : memref<640xf32, #tpu.memory_space<hbm>>)
      tpu.yield
    }) : () -> ()
    return
  }
}

#map = affine_map<(d0, d1) -> (0, 0, 0)>
module attributes {stable_mosaic.version = 14 : i64} {
  func.func @_scatter_body(%arg0: i32, %arg1: i32, %arg2: memref<2x10000x128xf32, #tpu.memory_space<hbm>>, %arg3: memref<16x157x128xi32, #tpu.memory_space<hbm>>, %arg4: memref<2x10000x128xf32, #tpu.memory_space<hbm>>, %arg5: memref<80x128xi32, #tpu.memory_space<vmem>>, %arg6: memref<2x128xi32, #tpu.memory_space<vmem>>, %arg7: memref<128xi32, #tpu.memory_space<vmem>>, %arg8: memref<2x128x128xf32, #tpu.memory_space<vmem>>, %arg9: memref<10080x128xf32, #tpu.memory_space<vmem_shared>>, %arg10: memref<!tpu.dma_semaphore, #tpu.memory_space<semaphore_mem>>, %arg11: memref<!tpu.dma_semaphore, #tpu.memory_space<semaphore_mem>>) attributes {dimension_semantics = [#tpu.dimension_semantics<core_parallel>, #tpu.dimension_semantics<subcore_parallel>], iteration_bounds = array<i64: 2, 16>, scalar_prefetch = 0 : i64, scratch_operands = 7 : i64, tpu.core_type = #tpu.core_type<sc_vector_subcore>, window_params = [{transform_indices = #map}, {transform_indices = #map}, {transform_indices = #map}]} {
    %scan3A = arith.constant 0 : i32
    %scan3A_0 = arith.constant 0 : i32
    %scan3A_1 = arith.constant 0 : i32
    %scan3A_2 = arith.constant 80 : i32
    %scan3A_3 = arith.addi %scan3A_1, %scan3A_2 : i32
    %scan3A_4 = arith.constant 1 : i32
    scf.for %scan3A_177 = %scan3A_1 to %scan3A_3 step %scan3A_4  : i32 {
      %broadcast_in_dim3A = arith.constant 0.000000e+00 : f32
      %broadcast_in_dim3A_178 = vector.broadcast %broadcast_in_dim3A : f32 to vector<16xf32>
      %swap3A_179 = arith.constant 0 : i32
      %swap3A_180 = arith.constant 0 : i32
      %swap3A_181 = tpu.memref_slice %arg8[%scan3A_0, %swap3A_179, %swap3A_180] : memref<2x128x128xf32, #tpu.memory_space<vmem>> -> memref<1x128x128xf32, #tpu.memory_space<vmem>>
      %swap3A_182 = tpu.memref_squeeze %swap3A_181 : memref<1x128x128xf32, #tpu.memory_space<vmem>> -> memref<128x128xf32, #tpu.memory_space<vmem>>
      %swap3A_183 = arith.index_cast %scan3A_177 : i32 to index
      %swap3A_184 = arith.constant 0 : index
      %swap3A_185 = tpu.vector_load %swap3A_182[%swap3A_183, %swap3A_184] {strides = array<i32>} : memref<128x128xf32, #tpu.memory_space<vmem>>, vector<1x16xf32>,
      %swap3A_186 = vector.shape_cast %swap3A_185 : vector<1x16xf32> to vector<16xf32>
      %swap3A_187 = vector.shape_cast %broadcast_in_dim3A_178 : vector<16xf32> to vector<1x16xf32>
      tpu.vector_store %swap3A_182[%swap3A_183, %swap3A_184], %swap3A_187 {strides = array<i32>} : memref<128x128xf32, #tpu.memory_space<vmem>>, vector<1x16xf32>,
      %broadcast_in_dim3A_188 = arith.constant 0.000000e+00 : f32
      %broadcast_in_dim3A_189 = vector.broadcast %broadcast_in_dim3A_188 : f32 to vector<16xf32>
      %swap3A_190 = arith.constant 0 : i32
      %swap3A_191 = arith.constant 0 : i32
      %swap3A_192 = tpu.memref_slice %arg8[%scan3A_0, %swap3A_190, %swap3A_191] : memref<2x128x128xf32, #tpu.memory_space<vmem>> -> memref<1x128x128xf32, #tpu.memory_space<vmem>>
      %swap3A_193 = tpu.memref_squeeze %swap3A_192 : memref<1x128x128xf32, #tpu.memory_space<vmem>> -> memref<128x128xf32, #tpu.memory_space<vmem>>
      %swap3A_194 = arith.index_cast %scan3A_177 : i32 to index
      %swap3A_195 = arith.constant 16 : index
      %swap3A_196 = tpu.vector_load %swap3A_193[%swap3A_194, %swap3A_195] {strides = array<i32>} : memref<128x128xf32, #tpu.memory_space<vmem>>, vector<1x16xf32>,
      %swap3A_197 = vector.shape_cast %swap3A_196 : vector<1x16xf32> to vector<16xf32>
      %swap3A_198 = vector.shape_cast %broadcast_in_dim3A_189 : vector<16xf32> to vector<1x16xf32>
      tpu.vector_store %swap3A_193[%swap3A_194, %swap3A_195], %swap3A_198 {strides = array<i32>} : memref<128x128xf32, #tpu.memory_space<vmem>>, vector<1x16xf32>,
      %broadcast_in_dim3A_199 = arith.constant 0.000000e+00 : f32
      %broadcast_in_dim3A_200 = vector.broadcast %broadcast_in_dim3A_199 : f32 to vector<16xf32>
      %swap3A_201 = arith.constant 0 : i32
      %swap3A_202 = arith.constant 0 : i32
      %swap3A_203 = tpu.memref_slice %arg8[%scan3A_0, %swap3A_201, %swap3A_202] : memref<2x128x128xf32, #tpu.memory_space<vmem>> -> memref<1x128x128xf32, #tpu.memory_space<vmem>>
      %swap3A_204 = tpu.memref_squeeze %swap3A_203 : memref<1x128x128xf32, #tpu.memory_space<vmem>> -> memref<128x128xf32, #tpu.memory_space<vmem>>
      %swap3A_205 = arith.index_cast %scan3A_177 : i32 to index
      %swap3A_206 = arith.constant 32 : index
      %swap3A_207 = tpu.vector_load %swap3A_204[%swap3A_205, %swap3A_206] {strides = array<i32>} : memref<128x128xf32, #tpu.memory_space<vmem>>, vector<1x16xf32>,
      %swap3A_208 = vector.shape_cast %swap3A_207 : vector<1x16xf32> to vector<16xf32>
      %swap3A_209 = vector.shape_cast %broadcast_in_dim3A_200 : vector<16xf32> to vector<1x16xf32>
      tpu.vector_store %swap3A_204[%swap3A_205, %swap3A_206], %swap3A_209 {strides = array<i32>} : memref<128x128xf32, #tpu.memory_space<vmem>>, vector<1x16xf32>,
      %broadcast_in_dim3A_210 = arith.constant 0.000000e+00 : f32
      %broadcast_in_dim3A_211 = vector.broadcast %broadcast_in_dim3A_210 : f32 to vector<16xf32>
      %swap3A_212 = arith.constant 0 : i32
      %swap3A_213 = arith.constant 0 : i32
      %swap3A_214 = tpu.memref_slice %arg8[%scan3A_0, %swap3A_212, %swap3A_213] : memref<2x128x128xf32, #tpu.memory_space<vmem>> -> memref<1x128x128xf32, #tpu.memory_space<vmem>>
      %swap3A_215 = tpu.memref_squeeze %swap3A_214 : memref<1x128x128xf32, #tpu.memory_space<vmem>> -> memref<128x128xf32, #tpu.memory_space<vmem>>
      %swap3A_216 = arith.index_cast %scan3A_177 : i32 to index
      %swap3A_217 = arith.constant 48 : index
      %swap3A_218 = tpu.vector_load %swap3A_215[%swap3A_216, %swap3A_217] {strides = array<i32>} : memref<128x128xf32, #tpu.memory_space<vmem>>, vector<1x16xf32>,
      %swap3A_219 = vector.shape_cast %swap3A_218 : vector<1x16xf32> to vector<16xf32>
      %swap3A_220 = vector.shape_cast %broadcast_in_dim3A_211 : vector<16xf32> to vector<1x16xf32>
      tpu.vector_store %swap3A_215[%swap3A_216, %swap3A_217], %swap3A_220 {strides = array<i32>} : memref<128x128xf32, #tpu.memory_space<vmem>>, vector<1x16xf32>,
      %broadcast_in_dim3A_221 = arith.constant 0.000000e+00 : f32
      %broadcast_in_dim3A_222 = vector.broadcast %broadcast_in_dim3A_221 : f32 to vector<16xf32>
      %swap3A_223 = arith.constant 0 : i32
      %swap3A_224 = arith.constant 0 : i32
      %swap3A_225 = tpu.memref_slice %arg8[%scan3A_0, %swap3A_223, %swap3A_224] : memref<2x128x128xf32, #tpu.memory_space<vmem>> -> memref<1x128x128xf32, #tpu.memory_space<vmem>>
      %swap3A_226 = tpu.memref_squeeze %swap3A_225 : memref<1x128x128xf32, #tpu.memory_space<vmem>> -> memref<128x128xf32, #tpu.memory_space<vmem>>
      %swap3A_227 = arith.index_cast %scan3A_177 : i32 to index
      %swap3A_228 = arith.constant 64 : index
      %swap3A_229 = tpu.vector_load %swap3A_226[%swap3A_227, %swap3A_228] {strides = array<i32>} : memref<128x128xf32, #tpu.memory_space<vmem>>, vector<1x16xf32>,
      %swap3A_230 = vector.shape_cast %swap3A_229 : vector<1x16xf32> to vector<16xf32>
      %swap3A_231 = vector.shape_cast %broadcast_in_dim3A_222 : vector<16xf32> to vector<1x16xf32>
      tpu.vector_store %swap3A_226[%swap3A_227, %swap3A_228], %swap3A_231 {strides = array<i32>} : memref<128x128xf32, #tpu.memory_space<vmem>>, vector<1x16xf32>,
      %broadcast_in_dim3A_232 = arith.constant 0.000000e+00 : f32
      %broadcast_in_dim3A_233 = vector.broadcast %broadcast_in_dim3A_232 : f32 to vector<16xf32>
      %swap3A_234 = arith.constant 0 : i32
      %swap3A_235 = arith.constant 0 : i32
      %swap3A_236 = tpu.memref_slice %arg8[%scan3A_0, %swap3A_234, %swap3A_235] : memref<2x128x128xf32, #tpu.memory_space<vmem>> -> memref<1x128x128xf32, #tpu.memory_space<vmem>>
      %swap3A_237 = tpu.memref_squeeze %swap3A_236 : memref<1x128x128xf32, #tpu.memory_space<vmem>> -> memref<128x128xf32, #tpu.memory_space<vmem>>
      %swap3A_238 = arith.index_cast %scan3A_177 : i32 to index
      %swap3A_239 = arith.constant 80 : index
      %swap3A_240 = tpu.vector_load %swap3A_237[%swap3A_238, %swap3A_239] {strides = array<i32>} : memref<128x128xf32, #tpu.memory_space<vmem>>, vector<1x16xf32>,
      %swap3A_241 = vector.shape_cast %swap3A_240 : vector<1x16xf32> to vector<16xf32>
      %swap3A_242 = vector.shape_cast %broadcast_in_dim3A_233 : vector<16xf32> to vector<1x16xf32>
      tpu.vector_store %swap3A_237[%swap3A_238, %swap3A_239], %swap3A_242 {strides = array<i32>} : memref<128x128xf32, #tpu.memory_space<vmem>>, vector<1x16xf32>,
      %broadcast_in_dim3A_243 = arith.constant 0.000000e+00 : f32
      %broadcast_in_dim3A_244 = vector.broadcast %broadcast_in_dim3A_243 : f32 to vector<16xf32>
      %swap3A_245 = arith.constant 0 : i32
      %swap3A_246 = arith.constant 0 : i32
      %swap3A_247 = tpu.memref_slice %arg8[%scan3A_0, %swap3A_245, %swap3A_246] : memref<2x128x128xf32, #tpu.memory_space<vmem>> -> memref<1x128x128xf32, #tpu.memory_space<vmem>>
      %swap3A_248 = tpu.memref_squeeze %swap3A_247 : memref<1x128x128xf32, #tpu.memory_space<vmem>> -> memref<128x128xf32, #tpu.memory_space<vmem>>
      %swap3A_249 = arith.index_cast %scan3A_177 : i32 to index
      %swap3A_250 = arith.constant 96 : index
      %swap3A_251 = tpu.vector_load %swap3A_248[%swap3A_249, %swap3A_250] {strides = array<i32>} : memref<128x128xf32, #tpu.memory_space<vmem>>, vector<1x16xf32>,
      %swap3A_252 = vector.shape_cast %swap3A_251 : vector<1x16xf32> to vector<16xf32>
      %swap3A_253 = vector.shape_cast %broadcast_in_dim3A_244 : vector<16xf32> to vector<1x16xf32>
      tpu.vector_store %swap3A_248[%swap3A_249, %swap3A_250], %swap3A_253 {strides = array<i32>} : memref<128x128xf32, #tpu.memory_space<vmem>>, vector<1x16xf32>,
      %broadcast_in_dim3A_254 = arith.constant 0.000000e+00 : f32
      %broadcast_in_dim3A_255 = vector.broadcast %broadcast_in_dim3A_254 : f32 to vector<16xf32>
      %swap3A_256 = arith.constant 0 : i32
      %swap3A_257 = arith.constant 0 : i32
      %swap3A_258 = tpu.memref_slice %arg8[%scan3A_0, %swap3A_256, %swap3A_257] : memref<2x128x128xf32, #tpu.memory_space<vmem>> -> memref<1x128x128xf32, #tpu.memory_space<vmem>>
      %swap3A_259 = tpu.memref_squeeze %swap3A_258 : memref<1x128x128xf32, #tpu.memory_space<vmem>> -> memref<128x128xf32, #tpu.memory_space<vmem>>
      %swap3A_260 = arith.index_cast %scan3A_177 : i32 to index
      %swap3A_261 = arith.constant 112 : index
      %swap3A_262 = tpu.vector_load %swap3A_259[%swap3A_260, %swap3A_261] {strides = array<i32>} : memref<128x128xf32, #tpu.memory_space<vmem>>, vector<1x16xf32>,
      %swap3A_263 = vector.shape_cast %swap3A_262 : vector<1x16xf32> to vector<16xf32>
      %swap3A_264 = vector.shape_cast %broadcast_in_dim3A_255 : vector<16xf32> to vector<1x16xf32>
      tpu.vector_store %swap3A_259[%swap3A_260, %swap3A_261], %swap3A_264 {strides = array<i32>} : memref<128x128xf32, #tpu.memory_space<vmem>>, vector<1x16xf32>,
    }
    %scan3A_5 = arith.constant 80 : i32
    %dma_start3A = arith.constant 0 : i32
    %dma_start3A_6 = arith.constant 0 : i32
    %dma_start3A_7 = tpu.memref_slice %arg3[%arg1, %dma_start3A, %dma_start3A_6] : memref<16x157x128xi32, #tpu.memory_space<hbm>> -> memref<1x157x128xi32, #tpu.memory_space<hbm>>
    %dma_start3A_8 = tpu.memref_squeeze %dma_start3A_7 : memref<1x157x128xi32, #tpu.memory_space<hbm>> -> memref<157x128xi32, #tpu.memory_space<hbm>>
    %dma_start3A_9 = arith.constant 0 : i32
    %dma_start3A_10 = arith.constant 0 : i32
    %dma_start3A_11 = tpu.memref_slice %dma_start3A_8[%dma_start3A_9, %dma_start3A_10] : memref<157x128xi32, #tpu.memory_space<hbm>> -> memref<80x128xi32, #tpu.memory_space<hbm>>
    %dma_start3A_12 = arith.constant 0 : i32
    %dma_start3A_13 = arith.constant 0 : i32
    %dma_start3A_14 = tpu.memref_slice %arg3[%arg1, %dma_start3A_12, %dma_start3A_13] : memref<16x157x128xi32, #tpu.memory_space<hbm>> -> memref<1x157x128xi32, #tpu.memory_space<hbm>>
    %dma_start3A_15 = tpu.memref_squeeze %dma_start3A_14 : memref<1x157x128xi32, #tpu.memory_space<hbm>> -> memref<157x128xi32, #tpu.memory_space<hbm>>
    %dma_start3A_16 = arith.constant 0 : i32
    %dma_start3A_17 = arith.constant 0 : i32
    %dma_start3A_18 = tpu.memref_slice %dma_start3A_15[%dma_start3A_16, %dma_start3A_17] : memref<157x128xi32, #tpu.memory_space<hbm>> -> memref<80x128xi32, #tpu.memory_space<hbm>>
    tpu.enqueue_dma source(%dma_start3A_18 : memref<80x128xi32, #tpu.memory_space<hbm>>) target(%arg5 : memref<80x128xi32, #tpu.memory_space<vmem>>) target_semaphore(%arg11 : memref<!tpu.dma_semaphore, #tpu.memory_space<semaphore_mem>>)
    %scan3A_19 = arith.constant 0 : i32
    %scan3A_20 = arith.constant 0 : i32
    %scan3A_21 = arith.constant 0 : i32
    %scan3A_22 = arith.constant 8 : i32
    %scan3A_23 = arith.addi %scan3A_21, %scan3A_22 : i32
    %scan3A_24 = arith.constant 1 : i32
    scf.for %scan3A_177 = %scan3A_21 to %scan3A_23 step %scan3A_24  : i32 {
      %mul3A = arith.constant 16 : i32
      %mul3A_178 = arith.muli %mul3A, %scan3A_177 : i32
      %add3A = arith.addi %arg1, %mul3A_178 : i32
      %lt3A = arith.constant 126 : i32
      %lt3A_179 = arith.cmpi slt, %add3A, %lt3A : i32
      %convert_element_type3A = arith.extui %lt3A_179 : i1 to i32
      %cond3A = arith.constant 0 : i32
      %cond3A_180 = arith.cmpi ne, %convert_element_type3A, %cond3A : i32
      scf.if %cond3A_180 {
        %mul3A_181 = arith.constant 80 : i32
        %mul3A_182 = arith.muli %mul3A_181, %add3A : i32
        "tpu.region"() ({
          %run_scoped3A = tpu.sem_alloc : memref<!tpu.dma_semaphore, #tpu.memory_space<semaphore_mem>>
          %dma_start3A_183 = arith.constant 0 : i32
          %dma_start3A_184 = arith.constant 0 : i32
          %dma_start3A_185 = tpu.memref_slice %arg8[%scan3A_20, %dma_start3A_183, %dma_start3A_184] : memref<2x128x128xf32, #tpu.memory_space<vmem>> -> memref<1x128x128xf32, #tpu.memory_space<vmem>>
          %dma_start3A_186 = tpu.memref_squeeze %dma_start3A_185 : memref<1x128x128xf32, #tpu.memory_space<vmem>> -> memref<128x128xf32, #tpu.memory_space<vmem>>
          %dma_start3A_187 = arith.constant 0 : i32
          %dma_start3A_188 = arith.constant 0 : i32
          %dma_start3A_189 = tpu.memref_slice %dma_start3A_186[%dma_start3A_187, %dma_start3A_188] : memref<128x128xf32, #tpu.memory_space<vmem>> -> memref<80x128xf32, #tpu.memory_space<vmem>>
          %dma_start3A_190 = arith.constant 0 : i32
          %dma_start3A_191 = tpu.memref_slice %arg9[%mul3A_182, %dma_start3A_190] : memref<10080x128xf32, #tpu.memory_space<vmem_shared>> -> memref<80x128xf32, #tpu.memory_space<vmem_shared>>
          %dma_start3A_192 = arith.constant 0 : i32
          %dma_start3A_193 = tpu.memref_slice %arg9[%mul3A_182, %dma_start3A_192] : memref<10080x128xf32, #tpu.memory_space<vmem_shared>> -> memref<80x128xf32, #tpu.memory_space<vmem_shared>>
          %dma_start3A_194 = arith.constant 0 : i32
          %dma_start3A_195 = arith.constant 0 : i32
          %dma_start3A_196 = tpu.memref_slice %arg8[%scan3A_20, %dma_start3A_194, %dma_start3A_195] : memref<2x128x128xf32, #tpu.memory_space<vmem>> -> memref<1x128x128xf32, #tpu.memory_space<vmem>>
          %dma_start3A_197 = tpu.memref_squeeze %dma_start3A_196 : memref<1x128x128xf32, #tpu.memory_space<vmem>> -> memref<128x128xf32, #tpu.memory_space<vmem>>
          %dma_start3A_198 = arith.constant 0 : i32
          %dma_start3A_199 = arith.constant 0 : i32
          %dma_start3A_200 = tpu.memref_slice %dma_start3A_197[%dma_start3A_198, %dma_start3A_199] : memref<128x128xf32, #tpu.memory_space<vmem>> -> memref<80x128xf32, #tpu.memory_space<vmem>>
          tpu.enqueue_dma source(%dma_start3A_200 : memref<80x128xf32, #tpu.memory_space<vmem>>) target(%dma_start3A_193 : memref<80x128xf32, #tpu.memory_space<vmem_shared>>) target_semaphore(%run_scoped3A : memref<!tpu.dma_semaphore, #tpu.memory_space<semaphore_mem>>)
          %dma_wait3A_201 = arith.constant 0 : i32
          %dma_wait3A_202 = arith.constant 0 : i32
          %dma_wait3A_203 = tpu.memref_slice %arg8[%scan3A_20, %dma_wait3A_201, %dma_wait3A_202] : memref<2x128x128xf32, #tpu.memory_space<vmem>> -> memref<1x128x128xf32, #tpu.memory_space<vmem>>
          %dma_wait3A_204 = tpu.memref_squeeze %dma_wait3A_203 : memref<1x128x128xf32, #tpu.memory_space<vmem>> -> memref<128x128xf32, #tpu.memory_space<vmem>>
          %dma_wait3A_205 = arith.constant 0 : i32
          %dma_wait3A_206 = arith.constant 0 : i32
          %dma_wait3A_207 = tpu.memref_slice %dma_wait3A_204[%dma_wait3A_205, %dma_wait3A_206] : memref<128x128xf32, #tpu.memory_space<vmem>> -> memref<80x128xf32, #tpu.memory_space<vmem>>
          %dma_wait3A_208 = arith.constant 0 : i32
          %dma_wait3A_209 = tpu.memref_slice %arg9[%mul3A_182, %dma_wait3A_208] : memref<10080x128xf32, #tpu.memory_space<vmem_shared>> -> memref<80x128xf32, #tpu.memory_space<vmem_shared>>
          %dma_wait3A_210 = arith.constant 0 : i32
          %dma_wait3A_211 = tpu.memref_slice %arg9[%mul3A_182, %dma_wait3A_210] : memref<10080x128xf32, #tpu.memory_space<vmem_shared>> -> memref<80x128xf32, #tpu.memory_space<vmem_shared>>
          %dma_wait3A_212 = arith.constant 0 : i32
          %dma_wait3A_213 = arith.constant 0 : i32
          %dma_wait3A_214 = tpu.memref_slice %arg8[%scan3A_20, %dma_wait3A_212, %dma_wait3A_213] : memref<2x128x128xf32, #tpu.memory_space<vmem>> -> memref<1x128x128xf32, #tpu.memory_space<vmem>>
          %dma_wait3A_215 = tpu.memref_squeeze %dma_wait3A_214 : memref<1x128x128xf32, #tpu.memory_space<vmem>> -> memref<128x128xf32, #tpu.memory_space<vmem>>
          %dma_wait3A_216 = arith.constant 0 : i32
          %dma_wait3A_217 = arith.constant 0 : i32
          %dma_wait3A_218 = tpu.memref_slice %dma_wait3A_215[%dma_wait3A_216, %dma_wait3A_217] : memref<128x128xf32, #tpu.memory_space<vmem>> -> memref<80x128xf32, #tpu.memory_space<vmem>>
          tpu.wait_dma2 semaphore(%run_scoped3A : memref<!tpu.dma_semaphore, #tpu.memory_space<semaphore_mem>>) src(%dma_wait3A_218 : memref<80x128xf32, #tpu.memory_space<vmem>>) dst(%dma_wait3A_211 : memref<80x128xf32, #tpu.memory_space<vmem_shared>>)
          tpu.yield
        }) : () -> ()
      } else {
      }
    }
    %scan3A_25 = arith.constant 8 : i32
    %dma_wait3A = arith.constant 0 : i32
    %dma_wait3A_26 = arith.constant 0 : i32
    %dma_wait3A_27 = tpu.memref_slice %arg3[%arg1, %dma_wait3A, %dma_wait3A_26] : memref<16x157x128xi32, #tpu.memory_space<hbm>> -> memref<1x157x128xi32, #tpu.memory_space<hbm>>
    %dma_wait3A_28 = tpu.memref_squeeze %dma_wait3A_27 : memref<1x157x128xi32, #tpu.memory_space<hbm>> -> memref<157x128xi32, #tpu.memory_space<hbm>>
    %dma_wait3A_29 = arith.constant 0 : i32
    %dma_wait3A_30 = arith.constant 0 : i32
    %dma_wait3A_31 = tpu.memref_slice %dma_wait3A_28[%dma_wait3A_29, %dma_wait3A_30] : memref<157x128xi32, #tpu.memory_space<hbm>> -> memref<80x128xi32, #tpu.memory_space<hbm>>
    %dma_wait3A_32 = arith.constant 0 : i32
    %dma_wait3A_33 = arith.constant 0 : i32
    %dma_wait3A_34 = tpu.memref_slice %arg3[%arg1, %dma_wait3A_32, %dma_wait3A_33] : memref<16x157x128xi32, #tpu.memory_space<hbm>> -> memref<1x157x128xi32, #tpu.memory_space<hbm>>
    %dma_wait3A_35 = tpu.memref_squeeze %dma_wait3A_34 : memref<1x157x128xi32, #tpu.memory_space<hbm>> -> memref<157x128xi32, #tpu.memory_space<hbm>>
    %dma_wait3A_36 = arith.constant 0 : i32
    %dma_wait3A_37 = arith.constant 0 : i32
    %dma_wait3A_38 = tpu.memref_slice %dma_wait3A_35[%dma_wait3A_36, %dma_wait3A_37] : memref<157x128xi32, #tpu.memory_space<hbm>> -> memref<80x128xi32, #tpu.memory_space<hbm>>
    tpu.wait_dma2 semaphore(%arg11 : memref<!tpu.dma_semaphore, #tpu.memory_space<semaphore_mem>>) src(%dma_wait3A_38 : memref<80x128xi32, #tpu.memory_space<hbm>>) dst(%arg5 : memref<80x128xi32, #tpu.memory_space<vmem>>)
    %barrier3A = arith.constant 0 : index
    tpu.barrier barrier_id(%barrier3A)
    %get3A = arith.constant 0 : i32
    %get3A_39 = arith.index_cast %get3A : i32 to index
    %get3A_40 = arith.constant 0 : index
    %get3A_41 = tpu.vector_load %arg5[%get3A_39, %get3A_40] {strides = array<i32>} : memref<80x128xi32, #tpu.memory_space<vmem>>, vector<1x16xi32>,
    %get3A_42 = vector.shape_cast %get3A_41 : vector<1x16xi32> to vector<16xi32>
    %and3A = arith.constant 65535 : i32
    %and3A_43 = vector.broadcast %and3A : i32 to vector<16xi32>
    %and3A_44 = arith.andi %get3A_42, %and3A_43 : vector<16xi32>
    %swap3A = arith.constant 0 : i32
    %swap3A_45 = arith.index_cast %swap3A : i32 to index
    %swap3A_46 = arith.constant 0 : index
    %swap3A_47 = tpu.vector_load %arg6[%swap3A_45, %swap3A_46] {strides = array<i32>} : memref<2x128xi32, #tpu.memory_space<vmem>>, vector<1x16xi32>,
    %swap3A_48 = vector.shape_cast %swap3A_47 : vector<1x16xi32> to vector<16xi32>
    %swap3A_49 = vector.shape_cast %and3A_44 : vector<16xi32> to vector<1x16xi32>
    tpu.vector_store %arg6[%swap3A_45, %swap3A_46], %swap3A_49 {strides = array<i32>} : memref<2x128xi32, #tpu.memory_space<vmem>>, vector<1x16xi32>,
    %get3A_50 = arith.constant 0 : i32
    %get3A_51 = arith.index_cast %get3A_50 : i32 to index
    %get3A_52 = arith.constant 16 : index
    %get3A_53 = tpu.vector_load %arg5[%get3A_51, %get3A_52] {strides = array<i32>} : memref<80x128xi32, #tpu.memory_space<vmem>>, vector<1x16xi32>,
    %get3A_54 = vector.shape_cast %get3A_53 : vector<1x16xi32> to vector<16xi32>
    %and3A_55 = arith.constant 65535 : i32
    %and3A_56 = vector.broadcast %and3A_55 : i32 to vector<16xi32>
    %and3A_57 = arith.andi %get3A_54, %and3A_56 : vector<16xi32>
    %swap3A_58 = arith.constant 0 : i32
    %swap3A_59 = arith.index_cast %swap3A_58 : i32 to index
    %swap3A_60 = arith.constant 16 : index
    %swap3A_61 = tpu.vector_load %arg6[%swap3A_59, %swap3A_60] {strides = array<i32>} : memref<2x128xi32, #tpu.memory_space<vmem>>, vector<1x16xi32>,
    %swap3A_62 = vector.shape_cast %swap3A_61 : vector<1x16xi32> to vector<16xi32>
    %swap3A_63 = vector.shape_cast %and3A_57 : vector<16xi32> to vector<1x16xi32>
    tpu.vector_store %arg6[%swap3A_59, %swap3A_60], %swap3A_63 {strides = array<i32>} : memref<2x128xi32, #tpu.memory_space<vmem>>, vector<1x16xi32>,
    %get3A_64 = arith.constant 0 : i32
    %get3A_65 = arith.index_cast %get3A_64 : i32 to index
    %get3A_66 = arith.constant 32 : index
    %get3A_67 = tpu.vector_load %arg5[%get3A_65, %get3A_66] {strides = array<i32>} : memref<80x128xi32, #tpu.memory_space<vmem>>, vector<1x16xi32>,
    %get3A_68 = vector.shape_cast %get3A_67 : vector<1x16xi32> to vector<16xi32>
    %and3A_69 = arith.constant 65535 : i32
    %and3A_70 = vector.broadcast %and3A_69 : i32 to vector<16xi32>
    %and3A_71 = arith.andi %get3A_68, %and3A_70 : vector<16xi32>
    %swap3A_72 = arith.constant 0 : i32
    %swap3A_73 = arith.index_cast %swap3A_72 : i32 to index
    %swap3A_74 = arith.constant 32 : index
    %swap3A_75 = tpu.vector_load %arg6[%swap3A_73, %swap3A_74] {strides = array<i32>} : memref<2x128xi32, #tpu.memory_space<vmem>>, vector<1x16xi32>,
    %swap3A_76 = vector.shape_cast %swap3A_75 : vector<1x16xi32> to vector<16xi32>
    %swap3A_77 = vector.shape_cast %and3A_71 : vector<16xi32> to vector<1x16xi32>
    tpu.vector_store %arg6[%swap3A_73, %swap3A_74], %swap3A_77 {strides = array<i32>} : memref<2x128xi32, #tpu.memory_space<vmem>>, vector<1x16xi32>,
    %get3A_78 = arith.constant 0 : i32
    %get3A_79 = arith.index_cast %get3A_78 : i32 to index
    %get3A_80 = arith.constant 48 : index
    %get3A_81 = tpu.vector_load %arg5[%get3A_79, %get3A_80] {strides = array<i32>} : memref<80x128xi32, #tpu.memory_space<vmem>>, vector<1x16xi32>,
    %get3A_82 = vector.shape_cast %get3A_81 : vector<1x16xi32> to vector<16xi32>
    %and3A_83 = arith.constant 65535 : i32
    %and3A_84 = vector.broadcast %and3A_83 : i32 to vector<16xi32>
    %and3A_85 = arith.andi %get3A_82, %and3A_84 : vector<16xi32>
    %swap3A_86 = arith.constant 0 : i32
    %swap3A_87 = arith.index_cast %swap3A_86 : i32 to index
    %swap3A_88 = arith.constant 48 : index
    %swap3A_89 = tpu.vector_load %arg6[%swap3A_87, %swap3A_88] {strides = array<i32>} : memref<2x128xi32, #tpu.memory_space<vmem>>, vector<1x16xi32>,
    %swap3A_90 = vector.shape_cast %swap3A_89 : vector<1x16xi32> to vector<16xi32>
    %swap3A_91 = vector.shape_cast %and3A_85 : vector<16xi32> to vector<1x16xi32>
    tpu.vector_store %arg6[%swap3A_87, %swap3A_88], %swap3A_91 {strides = array<i32>} : memref<2x128xi32, #tpu.memory_space<vmem>>, vector<1x16xi32>,
    %get3A_92 = arith.constant 0 : i32
    %get3A_93 = arith.index_cast %get3A_92 : i32 to index
    %get3A_94 = arith.constant 64 : index
    %get3A_95 = tpu.vector_load %arg5[%get3A_93, %get3A_94] {strides = array<i32>} : memref<80x128xi32, #tpu.memory_space<vmem>>, vector<1x16xi32>,
    %get3A_96 = vector.shape_cast %get3A_95 : vector<1x16xi32> to vector<16xi32>
    %and3A_97 = arith.constant 65535 : i32
    %and3A_98 = vector.broadcast %and3A_97 : i32 to vector<16xi32>
    %and3A_99 = arith.andi %get3A_96, %and3A_98 : vector<16xi32>
    %swap3A_100 = arith.constant 0 : i32
    %swap3A_101 = arith.index_cast %swap3A_100 : i32 to index
    %swap3A_102 = arith.constant 64 : index
    %swap3A_103 = tpu.vector_load %arg6[%swap3A_101, %swap3A_102] {strides = array<i32>} : memref<2x128xi32, #tpu.memory_space<vmem>>, vector<1x16xi32>,
    %swap3A_104 = vector.shape_cast %swap3A_103 : vector<1x16xi32> to vector<16xi32>
    %swap3A_105 = vector.shape_cast %and3A_99 : vector<16xi32> to vector<1x16xi32>
    tpu.vector_store %arg6[%swap3A_101, %swap3A_102], %swap3A_105 {strides = array<i32>} : memref<2x128xi32, #tpu.memory_space<vmem>>, vector<1x16xi32>,
    %get3A_106 = arith.constant 0 : i32
    %get3A_107 = arith.index_cast %get3A_106 : i32 to index
    %get3A_108 = arith.constant 80 : index
    %get3A_109 = tpu.vector_load %arg5[%get3A_107, %get3A_108] {strides = array<i32>} : memref<80x128xi32, #tpu.memory_space<vmem>>, vector<1x16xi32>,
    %get3A_110 = vector.shape_cast %get3A_109 : vector<1x16xi32> to vector<16xi32>
    %and3A_111 = arith.constant 65535 : i32
    %and3A_112 = vector.broadcast %and3A_111 : i32 to vector<16xi32>
    %and3A_113 = arith.andi %get3A_110, %and3A_112 : vector<16xi32>
    %swap3A_114 = arith.constant 0 : i32
    %swap3A_115 = arith.index_cast %swap3A_114 : i32 to index
    %swap3A_116 = arith.constant 80 : index
    %swap3A_117 = tpu.vector_load %arg6[%swap3A_115, %swap3A_116] {strides = array<i32>} : memref<2x128xi32, #tpu.memory_space<vmem>>, vector<1x16xi32>,
    %swap3A_118 = vector.shape_cast %swap3A_117 : vector<1x16xi32> to vector<16xi32>
    %swap3A_119 = vector.shape_cast %and3A_113 : vector<16xi32> to vector<1x16xi32>
    tpu.vector_store %arg6[%swap3A_115, %swap3A_116], %swap3A_119 {strides = array<i32>} : memref<2x128xi32, #tpu.memory_space<vmem>>, vector<1x16xi32>,
    %get3A_120 = arith.constant 0 : i32
    %get3A_121 = arith.index_cast %get3A_120 : i32 to index
    %get3A_122 = arith.constant 96 : index
    %get3A_123 = tpu.vector_load %arg5[%get3A_121, %get3A_122] {strides = array<i32>} : memref<80x128xi32, #tpu.memory_space<vmem>>, vector<1x16xi32>,
    %get3A_124 = vector.shape_cast %get3A_123 : vector<1x16xi32> to vector<16xi32>
    %and3A_125 = arith.constant 65535 : i32
    %and3A_126 = vector.broadcast %and3A_125 : i32 to vector<16xi32>
    %and3A_127 = arith.andi %get3A_124, %and3A_126 : vector<16xi32>
    %swap3A_128 = arith.constant 0 : i32
    %swap3A_129 = arith.index_cast %swap3A_128 : i32 to index
    %swap3A_130 = arith.constant 96 : index
    %swap3A_131 = tpu.vector_load %arg6[%swap3A_129, %swap3A_130] {strides = array<i32>} : memref<2x128xi32, #tpu.memory_space<vmem>>, vector<1x16xi32>,
    %swap3A_132 = vector.shape_cast %swap3A_131 : vector<1x16xi32> to vector<16xi32>
    %swap3A_133 = vector.shape_cast %and3A_127 : vector<16xi32> to vector<1x16xi32>
    tpu.vector_store %arg6[%swap3A_129, %swap3A_130], %swap3A_133 {strides = array<i32>} : memref<2x128xi32, #tpu.memory_space<vmem>>, vector<1x16xi32>,
    %get3A_134 = arith.constant 0 : i32
    %get3A_135 = arith.index_cast %get3A_134 : i32 to index
    %get3A_136 = arith.constant 112 : index
    %get3A_137 = tpu.vector_load %arg5[%get3A_135, %get3A_136] {strides = array<i32>} : memref<80x128xi32, #tpu.memory_space<vmem>>, vector<1x16xi32>,
    %get3A_138 = vector.shape_cast %get3A_137 : vector<1x16xi32> to vector<16xi32>
    %and3A_139 = arith.constant 65535 : i32
    %and3A_140 = vector.broadcast %and3A_139 : i32 to vector<16xi32>
    %and3A_141 = arith.andi %get3A_138, %and3A_140 : vector<16xi32>
    %swap3A_142 = arith.constant 0 : i32
    %swap3A_143 = arith.index_cast %swap3A_142 : i32 to index
    %swap3A_144 = arith.constant 112 : index
    %swap3A_145 = tpu.vector_load %arg6[%swap3A_143, %swap3A_144] {strides = array<i32>} : memref<2x128xi32, #tpu.memory_space<vmem>>, vector<1x16xi32>,
    %swap3A_146 = vector.shape_cast %swap3A_145 : vector<1x16xi32> to vector<16xi32>
    %swap3A_147 = vector.shape_cast %and3A_141 : vector<16xi32> to vector<1x16xi32>
    tpu.vector_store %arg6[%swap3A_143, %swap3A_144], %swap3A_147 {strides = array<i32>} : memref<2x128xi32, #tpu.memory_space<vmem>>, vector<1x16xi32>,
    %dma_start3A_148 = arith.constant 0 : i32
    %dma_start3A_149 = arith.constant 0 : i32
    %dma_start3A_150 = arith.constant 0 : i32
    %dma_start3A_151 = arith.constant 0 : i32
    %dma_start3A_152 = tpu.memref_slice %arg8[%dma_start3A_149, %dma_start3A_150, %dma_start3A_151] : memref<2x128x128xf32, #tpu.memory_space<vmem>> -> memref<1x128x128xf32, #tpu.memory_space<vmem>>
    %dma_start3A_153 = tpu.memref_squeeze %dma_start3A_152 : memref<1x128x128xf32, #tpu.memory_space<vmem>> -> memref<128x128xf32, #tpu.memory_space<vmem>>
    %dma_start3A_154 = arith.constant 0 : i32
    %dma_start3A_155 = tpu.memref_slice %arg6[%dma_start3A_148, %dma_start3A_154] : memref<2x128xi32, #tpu.memory_space<vmem>> -> memref<1x128xi32, #tpu.memory_space<vmem>>
    %dma_start3A_156 = tpu.memref_squeeze %dma_start3A_155 : memref<1x128xi32, #tpu.memory_space<vmem>> -> memref<128xi32, #tpu.memory_space<vmem>>
    %dma_start3A_157 = arith.constant 0 : i32
    %dma_start3A_158 = arith.constant 0 : i32
    %dma_start3A_159 = tpu.memref_slice %arg2[%arg0, %dma_start3A_157, %dma_start3A_158] : memref<2x10000x128xf32, #tpu.memory_space<hbm>> -> memref<1x10000x128xf32, #tpu.memory_space<hbm>>
    %dma_start3A_160 = tpu.memref_squeeze %dma_start3A_159 : memref<1x10000x128xf32, #tpu.memory_space<hbm>> -> memref<10000x128xf32, #tpu.memory_space<hbm>>
    %dma_start3A_161 = arith.constant 0 : i32
    %dma_start3A_162 = arith.constant 0 : i32
    %dma_start3A_163 = tpu.memref_slice %dma_start3A_160[%dma_start3A_161, %dma_start3A_162] : memref<10000x128xf32, #tpu.memory_space<hbm>> -> memref<10000x128xf32, #tpu.memory_space<hbm>>
    tpu.enqueue_indirect_dma source(%dma_start3A_163 : memref<10000x128xf32, #tpu.memory_space<hbm>>) target(%dma_start3A_153 : memref<128x128xf32, #tpu.memory_space<vmem>>) offsets(%dma_start3A_156 : memref<128xi32, #tpu.memory_space<vmem>>) semaphore(%arg10 : memref<!tpu.dma_semaphore, #tpu.memory_space<semaphore_mem>>)
    %scan3A_164 = arith.constant 0 : i32
    %scan3A_165 = arith.constant 0 : i32
    %scan3A_166 = arith.constant 157 : i32
    %scan3A_167 = arith.addi %scan3A_165, %scan3A_166 : i32
    %scan3A_168 = arith.constant 1 : i32
    scf.for %scan3A_177 = %scan3A_165 to %scan3A_167 step %scan3A_168  : i32 {
      %rem3A = arith.constant 2 : i32
      %rem3A_178 = arith.remsi %scan3A_177, %rem3A : i32
      %rem3A_179 = arith.constant 80 : i32
      %rem3A_180 = arith.remsi %scan3A_177, %rem3A_179 : i32
      %get3A_181 = arith.index_cast %rem3A_180 : i32 to index
      %get3A_182 = arith.constant 0 : index
      %get3A_183 = tpu.vector_load %arg5[%get3A_181, %get3A_182] {strides = array<i32>} : memref<80x128xi32, #tpu.memory_space<vmem>>, vector<1x16xi32>,
      %get3A_184 = vector.shape_cast %get3A_183 : vector<1x16xi32> to vector<16xi32>
      %shift_right_logical3A = arith.constant 16 : i32
      %shift_right_logical3A_185 = vector.broadcast %shift_right_logical3A : i32 to vector<16xi32>
      %shift_right_logical3A_186 = arith.shrui %get3A_184, %shift_right_logical3A_185 : vector<16xi32>
      %lt3A = arith.constant 10000 : i32
      %lt3A_187 = vector.broadcast %lt3A : i32 to vector<16xi32>
      %lt3A_188 = arith.cmpi slt, %shift_right_logical3A_186, %lt3A_187 : vector<16xi32>
      %jit3A = arith.constant 10000 : i32
      %broadcast_in_dim3A = vector.broadcast %jit3A : i32 to vector<16xi32>
      %select_n3A = arith.select %lt3A_188, %shift_right_logical3A_186, %broadcast_in_dim3A : vector<16xi1>, vector<16xi32>
      %swap3A_189 = arith.constant 0 : index
      %swap3A_190 = tpu.vector_load %arg7[%swap3A_189] {strides = array<i32>} : memref<128xi32, #tpu.memory_space<vmem>>, vector<16xi32>,
      %swap3A_191 = vector.shape_cast %swap3A_190 : vector<16xi32> to vector<16xi32>
      %swap3A_192 = vector.shape_cast %select_n3A : vector<16xi32> to vector<16xi32>
      tpu.vector_store %arg7[%swap3A_189], %swap3A_192 {strides = array<i32>} : memref<128xi32, #tpu.memory_space<vmem>>, vector<16xi32>,
      %get3A_193 = arith.index_cast %rem3A_180 : i32 to index
      %get3A_194 = arith.constant 16 : index
      %get3A_195 = tpu.vector_load %arg5[%get3A_193, %get3A_194] {strides = array<i32>} : memref<80x128xi32, #tpu.memory_space<vmem>>, vector<1x16xi32>,
      %get3A_196 = vector.shape_cast %get3A_195 : vector<1x16xi32> to vector<16xi32>
      %shift_right_logical3A_197 = arith.constant 16 : i32
      %shift_right_logical3A_198 = vector.broadcast %shift_right_logical3A_197 : i32 to vector<16xi32>
      %shift_right_logical3A_199 = arith.shrui %get3A_196, %shift_right_logical3A_198 : vector<16xi32>
      %lt3A_200 = arith.constant 10000 : i32
      %lt3A_201 = vector.broadcast %lt3A_200 : i32 to vector<16xi32>
      %lt3A_202 = arith.cmpi slt, %shift_right_logical3A_199, %lt3A_201 : vector<16xi32>
      %jit3A_203 = arith.constant 10000 : i32
      %broadcast_in_dim3A_204 = vector.broadcast %jit3A_203 : i32 to vector<16xi32>
      %select_n3A_205 = arith.select %lt3A_202, %shift_right_logical3A_199, %broadcast_in_dim3A_204 : vector<16xi1>, vector<16xi32>
      %swap3A_206 = arith.constant 16 : index
      %swap3A_207 = tpu.vector_load %arg7[%swap3A_206] {strides = array<i32>} : memref<128xi32, #tpu.memory_space<vmem>>, vector<16xi32>,
      %swap3A_208 = vector.shape_cast %swap3A_207 : vector<16xi32> to vector<16xi32>
      %swap3A_209 = vector.shape_cast %select_n3A_205 : vector<16xi32> to vector<16xi32>
      tpu.vector_store %arg7[%swap3A_206], %swap3A_209 {strides = array<i32>} : memref<128xi32, #tpu.memory_space<vmem>>, vector<16xi32>,
      %get3A_210 = arith.index_cast %rem3A_180 : i32 to index
      %get3A_211 = arith.constant 32 : index
      %get3A_212 = tpu.vector_load %arg5[%get3A_210, %get3A_211] {strides = array<i32>} : memref<80x128xi32, #tpu.memory_space<vmem>>, vector<1x16xi32>,
      %get3A_213 = vector.shape_cast %get3A_212 : vector<1x16xi32> to vector<16xi32>
      %shift_right_logical3A_214 = arith.constant 16 : i32
      %shift_right_logical3A_215 = vector.broadcast %shift_right_logical3A_214 : i32 to vector<16xi32>
      %shift_right_logical3A_216 = arith.shrui %get3A_213, %shift_right_logical3A_215 : vector<16xi32>
      %lt3A_217 = arith.constant 10000 : i32
      %lt3A_218 = vector.broadcast %lt3A_217 : i32 to vector<16xi32>
      %lt3A_219 = arith.cmpi slt, %shift_right_logical3A_216, %lt3A_218 : vector<16xi32>
      %jit3A_220 = arith.constant 10000 : i32
      %broadcast_in_dim3A_221 = vector.broadcast %jit3A_220 : i32 to vector<16xi32>
      %select_n3A_222 = arith.select %lt3A_219, %shift_right_logical3A_216, %broadcast_in_dim3A_221 : vector<16xi1>, vector<16xi32>
      %swap3A_223 = arith.constant 32 : index
      %swap3A_224 = tpu.vector_load %arg7[%swap3A_223] {strides = array<i32>} : memref<128xi32, #tpu.memory_space<vmem>>, vector<16xi32>,
      %swap3A_225 = vector.shape_cast %swap3A_224 : vector<16xi32> to vector<16xi32>
      %swap3A_226 = vector.shape_cast %select_n3A_222 : vector<16xi32> to vector<16xi32>
      tpu.vector_store %arg7[%swap3A_223], %swap3A_226 {strides = array<i32>} : memref<128xi32, #tpu.memory_space<vmem>>, vector<16xi32>,
      %get3A_227 = arith.index_cast %rem3A_180 : i32 to index
      %get3A_228 = arith.constant 48 : index
      %get3A_229 = tpu.vector_load %arg5[%get3A_227, %get3A_228] {strides = array<i32>} : memref<80x128xi32, #tpu.memory_space<vmem>>, vector<1x16xi32>,
      %get3A_230 = vector.shape_cast %get3A_229 : vector<1x16xi32> to vector<16xi32>
      %shift_right_logical3A_231 = arith.constant 16 : i32
      %shift_right_logical3A_232 = vector.broadcast %shift_right_logical3A_231 : i32 to vector<16xi32>
      %shift_right_logical3A_233 = arith.shrui %get3A_230, %shift_right_logical3A_232 : vector<16xi32>
      %lt3A_234 = arith.constant 10000 : i32
      %lt3A_235 = vector.broadcast %lt3A_234 : i32 to vector<16xi32>
      %lt3A_236 = arith.cmpi slt, %shift_right_logical3A_233, %lt3A_235 : vector<16xi32>
      %jit3A_237 = arith.constant 10000 : i32
      %broadcast_in_dim3A_238 = vector.broadcast %jit3A_237 : i32 to vector<16xi32>
      %select_n3A_239 = arith.select %lt3A_236, %shift_right_logical3A_233, %broadcast_in_dim3A_238 : vector<16xi1>, vector<16xi32>
      %swap3A_240 = arith.constant 48 : index
      %swap3A_241 = tpu.vector_load %arg7[%swap3A_240] {strides = array<i32>} : memref<128xi32, #tpu.memory_space<vmem>>, vector<16xi32>,
      %swap3A_242 = vector.shape_cast %swap3A_241 : vector<16xi32> to vector<16xi32>
      %swap3A_243 = vector.shape_cast %select_n3A_239 : vector<16xi32> to vector<16xi32>
      tpu.vector_store %arg7[%swap3A_240], %swap3A_243 {strides = array<i32>} : memref<128xi32, #tpu.memory_space<vmem>>, vector<16xi32>,
      %get3A_244 = arith.index_cast %rem3A_180 : i32 to index
      %get3A_245 = arith.constant 64 : index
      %get3A_246 = tpu.vector_load %arg5[%get3A_244, %get3A_245] {strides = array<i32>} : memref<80x128xi32, #tpu.memory_space<vmem>>, vector<1x16xi32>,
      %get3A_247 = vector.shape_cast %get3A_246 : vector<1x16xi32> to vector<16xi32>
      %shift_right_logical3A_248 = arith.constant 16 : i32
      %shift_right_logical3A_249 = vector.broadcast %shift_right_logical3A_248 : i32 to vector<16xi32>
      %shift_right_logical3A_250 = arith.shrui %get3A_247, %shift_right_logical3A_249 : vector<16xi32>
      %lt3A_251 = arith.constant 10000 : i32
      %lt3A_252 = vector.broadcast %lt3A_251 : i32 to vector<16xi32>
      %lt3A_253 = arith.cmpi slt, %shift_right_logical3A_250, %lt3A_252 : vector<16xi32>
      %jit3A_254 = arith.constant 10000 : i32
      %broadcast_in_dim3A_255 = vector.broadcast %jit3A_254 : i32 to vector<16xi32>
      %select_n3A_256 = arith.select %lt3A_253, %shift_right_logical3A_250, %broadcast_in_dim3A_255 : vector<16xi1>, vector<16xi32>
      %swap3A_257 = arith.constant 64 : index
      %swap3A_258 = tpu.vector_load %arg7[%swap3A_257] {strides = array<i32>} : memref<128xi32, #tpu.memory_space<vmem>>, vector<16xi32>,
      %swap3A_259 = vector.shape_cast %swap3A_258 : vector<16xi32> to vector<16xi32>
      %swap3A_260 = vector.shape_cast %select_n3A_256 : vector<16xi32> to vector<16xi32>
      tpu.vector_store %arg7[%swap3A_257], %swap3A_260 {strides = array<i32>} : memref<128xi32, #tpu.memory_space<vmem>>, vector<16xi32>,
      %get3A_261 = arith.index_cast %rem3A_180 : i32 to index
      %get3A_262 = arith.constant 80 : index
      %get3A_263 = tpu.vector_load %arg5[%get3A_261, %get3A_262] {strides = array<i32>} : memref<80x128xi32, #tpu.memory_space<vmem>>, vector<1x16xi32>,
      %get3A_264 = vector.shape_cast %get3A_263 : vector<1x16xi32> to vector<16xi32>
      %shift_right_logical3A_265 = arith.constant 16 : i32
      %shift_right_logical3A_266 = vector.broadcast %shift_right_logical3A_265 : i32 to vector<16xi32>
      %shift_right_logical3A_267 = arith.shrui %get3A_264, %shift_right_logical3A_266 : vector<16xi32>
      %lt3A_268 = arith.constant 10000 : i32
      %lt3A_269 = vector.broadcast %lt3A_268 : i32 to vector<16xi32>
      %lt3A_270 = arith.cmpi slt, %shift_right_logical3A_267, %lt3A_269 : vector<16xi32>
      %jit3A_271 = arith.constant 10000 : i32
      %broadcast_in_dim3A_272 = vector.broadcast %jit3A_271 : i32 to vector<16xi32>
      %select_n3A_273 = arith.select %lt3A_270, %shift_right_logical3A_267, %broadcast_in_dim3A_272 : vector<16xi1>, vector<16xi32>
      %swap3A_274 = arith.constant 80 : index
      %swap3A_275 = tpu.vector_load %arg7[%swap3A_274] {strides = array<i32>} : memref<128xi32, #tpu.memory_space<vmem>>, vector<16xi32>,
      %swap3A_276 = vector.shape_cast %swap3A_275 : vector<16xi32> to vector<16xi32>
      %swap3A_277 = vector.shape_cast %select_n3A_273 : vector<16xi32> to vector<16xi32>
      tpu.vector_store %arg7[%swap3A_274], %swap3A_277 {strides = array<i32>} : memref<128xi32, #tpu.memory_space<vmem>>, vector<16xi32>,
      %get3A_278 = arith.index_cast %rem3A_180 : i32 to index
      %get3A_279 = arith.constant 96 : index
      %get3A_280 = tpu.vector_load %arg5[%get3A_278, %get3A_279] {strides = array<i32>} : memref<80x128xi32, #tpu.memory_space<vmem>>, vector<1x16xi32>,
      %get3A_281 = vector.shape_cast %get3A_280 : vector<1x16xi32> to vector<16xi32>
      %shift_right_logical3A_282 = arith.constant 16 : i32
      %shift_right_logical3A_283 = vector.broadcast %shift_right_logical3A_282 : i32 to vector<16xi32>
      %shift_right_logical3A_284 = arith.shrui %get3A_281, %shift_right_logical3A_283 : vector<16xi32>
      %lt3A_285 = arith.constant 10000 : i32
      %lt3A_286 = vector.broadcast %lt3A_285 : i32 to vector<16xi32>
      %lt3A_287 = arith.cmpi slt, %shift_right_logical3A_284, %lt3A_286 : vector<16xi32>
      %jit3A_288 = arith.constant 10000 : i32
      %broadcast_in_dim3A_289 = vector.broadcast %jit3A_288 : i32 to vector<16xi32>
      %select_n3A_290 = arith.select %lt3A_287, %shift_right_logical3A_284, %broadcast_in_dim3A_289 : vector<16xi1>, vector<16xi32>
      %swap3A_291 = arith.constant 96 : index
      %swap3A_292 = tpu.vector_load %arg7[%swap3A_291] {strides = array<i32>} : memref<128xi32, #tpu.memory_space<vmem>>, vector<16xi32>,
      %swap3A_293 = vector.shape_cast %swap3A_292 : vector<16xi32> to vector<16xi32>
      %swap3A_294 = vector.shape_cast %select_n3A_290 : vector<16xi32> to vector<16xi32>
      tpu.vector_store %arg7[%swap3A_291], %swap3A_294 {strides = array<i32>} : memref<128xi32, #tpu.memory_space<vmem>>, vector<16xi32>,
      %get3A_295 = arith.index_cast %rem3A_180 : i32 to index
      %get3A_296 = arith.constant 112 : index
      %get3A_297 = tpu.vector_load %arg5[%get3A_295, %get3A_296] {strides = array<i32>} : memref<80x128xi32, #tpu.memory_space<vmem>>, vector<1x16xi32>,
      %get3A_298 = vector.shape_cast %get3A_297 : vector<1x16xi32> to vector<16xi32>
      %shift_right_logical3A_299 = arith.constant 16 : i32
      %shift_right_logical3A_300 = vector.broadcast %shift_right_logical3A_299 : i32 to vector<16xi32>
      %shift_right_logical3A_301 = arith.shrui %get3A_298, %shift_right_logical3A_300 : vector<16xi32>
      %lt3A_302 = arith.constant 10000 : i32
      %lt3A_303 = vector.broadcast %lt3A_302 : i32 to vector<16xi32>
      %lt3A_304 = arith.cmpi slt, %shift_right_logical3A_301, %lt3A_303 : vector<16xi32>
      %jit3A_305 = arith.constant 10000 : i32
      %broadcast_in_dim3A_306 = vector.broadcast %jit3A_305 : i32 to vector<16xi32>
      %select_n3A_307 = arith.select %lt3A_304, %shift_right_logical3A_301, %broadcast_in_dim3A_306 : vector<16xi1>, vector<16xi32>
      %swap3A_308 = arith.constant 112 : index
      %swap3A_309 = tpu.vector_load %arg7[%swap3A_308] {strides = array<i32>} : memref<128xi32, #tpu.memory_space<vmem>>, vector<16xi32>,
      %swap3A_310 = vector.shape_cast %swap3A_309 : vector<16xi32> to vector<16xi32>
      %swap3A_311 = vector.shape_cast %select_n3A_307 : vector<16xi32> to vector<16xi32>
      tpu.vector_store %arg7[%swap3A_308], %swap3A_311 {strides = array<i32>} : memref<128xi32, #tpu.memory_space<vmem>>, vector<16xi32>,
      %eq3A = arith.constant 77 : i32
      %eq3A_312 = arith.cmpi eq, %scan3A_177, %eq3A : i32
      %convert_element_type3A = arith.extui %eq3A_312 : i1 to i32
      %cond3A = arith.constant 0 : i32
      %cond3A_313 = arith.cmpi ne, %convert_element_type3A, %cond3A : i32
      scf.if %cond3A_313 {
        %dma_start3A_346 = arith.constant 0 : i32
        %dma_start3A_347 = arith.constant 0 : i32
        %dma_start3A_348 = tpu.memref_slice %arg5[%dma_start3A_346, %dma_start3A_347] : memref<80x128xi32, #tpu.memory_space<vmem>> -> memref<77x128xi32, #tpu.memory_space<vmem>>
        %dma_start3A_349 = arith.constant 0 : i32
        %dma_start3A_350 = arith.constant 0 : i32
        %dma_start3A_351 = tpu.memref_slice %arg3[%arg1, %dma_start3A_349, %dma_start3A_350] : memref<16x157x128xi32, #tpu.memory_space<hbm>> -> memref<1x157x128xi32, #tpu.memory_space<hbm>>
        %dma_start3A_352 = tpu.memref_squeeze %dma_start3A_351 : memref<1x157x128xi32, #tpu.memory_space<hbm>> -> memref<157x128xi32, #tpu.memory_space<hbm>>
        %dma_start3A_353 = arith.constant 80 : i32
        %dma_start3A_354 = arith.constant 0 : i32
        %dma_start3A_355 = tpu.memref_slice %dma_start3A_352[%dma_start3A_353, %dma_start3A_354] : memref<157x128xi32, #tpu.memory_space<hbm>> -> memref<77x128xi32, #tpu.memory_space<hbm>>
        %dma_start3A_356 = arith.constant 0 : i32
        %dma_start3A_357 = arith.constant 0 : i32
        %dma_start3A_358 = tpu.memref_slice %arg5[%dma_start3A_356, %dma_start3A_357] : memref<80x128xi32, #tpu.memory_space<vmem>> -> memref<77x128xi32, #tpu.memory_space<vmem>>
        %dma_start3A_359 = arith.constant 0 : i32
        %dma_start3A_360 = arith.constant 0 : i32
        %dma_start3A_361 = tpu.memref_slice %arg3[%arg1, %dma_start3A_359, %dma_start3A_360] : memref<16x157x128xi32, #tpu.memory_space<hbm>> -> memref<1x157x128xi32, #tpu.memory_space<hbm>>
        %dma_start3A_362 = tpu.memref_squeeze %dma_start3A_361 : memref<1x157x128xi32, #tpu.memory_space<hbm>> -> memref<157x128xi32, #tpu.memory_space<hbm>>
        %dma_start3A_363 = arith.constant 80 : i32
        %dma_start3A_364 = arith.constant 0 : i32
        %dma_start3A_365 = tpu.memref_slice %dma_start3A_362[%dma_start3A_363, %dma_start3A_364] : memref<157x128xi32, #tpu.memory_space<hbm>> -> memref<77x128xi32, #tpu.memory_space<hbm>>
        tpu.enqueue_dma source(%dma_start3A_365 : memref<77x128xi32, #tpu.memory_space<hbm>>) target(%dma_start3A_358 : memref<77x128xi32, #tpu.memory_space<vmem>>) target_semaphore(%arg11 : memref<!tpu.dma_semaphore, #tpu.memory_space<semaphore_mem>>)
      } else {
      }
      %eq3A_314 = arith.constant 79 : i32
      %eq3A_315 = arith.cmpi eq, %scan3A_177, %eq3A_314 : i32
      %convert_element_type3A_316 = arith.extui %eq3A_315 : i1 to i32
      %cond3A_317 = arith.constant 0 : i32
      %cond3A_318 = arith.cmpi ne, %convert_element_type3A_316, %cond3A_317 : i32
      scf.if %cond3A_318 {
        %dma_wait3A_346 = arith.constant 0 : i32
        %dma_wait3A_347 = arith.constant 0 : i32
        %dma_wait3A_348 = tpu.memref_slice %arg5[%dma_wait3A_346, %dma_wait3A_347] : memref<80x128xi32, #tpu.memory_space<vmem>> -> memref<77x128xi32, #tpu.memory_space<vmem>>
        %dma_wait3A_349 = arith.constant 0 : i32
        %dma_wait3A_350 = arith.constant 0 : i32
        %dma_wait3A_351 = tpu.memref_slice %arg3[%arg1, %dma_wait3A_349, %dma_wait3A_350] : memref<16x157x128xi32, #tpu.memory_space<hbm>> -> memref<1x157x128xi32, #tpu.memory_space<hbm>>
        %dma_wait3A_352 = tpu.memref_squeeze %dma_wait3A_351 : memref<1x157x128xi32, #tpu.memory_space<hbm>> -> memref<157x128xi32, #tpu.memory_space<hbm>>
        %dma_wait3A_353 = arith.constant 80 : i32
        %dma_wait3A_354 = arith.constant 0 : i32
        %dma_wait3A_355 = tpu.memref_slice %dma_wait3A_352[%dma_wait3A_353, %dma_wait3A_354] : memref<157x128xi32, #tpu.memory_space<hbm>> -> memref<77x128xi32, #tpu.memory_space<hbm>>
        %dma_wait3A_356 = arith.constant 0 : i32
        %dma_wait3A_357 = arith.constant 0 : i32
        %dma_wait3A_358 = tpu.memref_slice %arg5[%dma_wait3A_356, %dma_wait3A_357] : memref<80x128xi32, #tpu.memory_space<vmem>> -> memref<77x128xi32, #tpu.memory_space<vmem>>
        %dma_wait3A_359 = arith.constant 0 : i32
        %dma_wait3A_360 = arith.constant 0 : i32
        %dma_wait3A_361 = tpu.memref_slice %arg3[%arg1, %dma_wait3A_359, %dma_wait3A_360] : memref<16x157x128xi32, #tpu.memory_space<hbm>> -> memref<1x157x128xi32, #tpu.memory_space<hbm>>
        %dma_wait3A_362 = tpu.memref_squeeze %dma_wait3A_361 : memref<1x157x128xi32, #tpu.memory_space<hbm>> -> memref<157x128xi32, #tpu.memory_space<hbm>>
        %dma_wait3A_363 = arith.constant 80 : i32
        %dma_wait3A_364 = arith.constant 0 : i32
        %dma_wait3A_365 = tpu.memref_slice %dma_wait3A_362[%dma_wait3A_363, %dma_wait3A_364] : memref<157x128xi32, #tpu.memory_space<hbm>> -> memref<77x128xi32, #tpu.memory_space<hbm>>
        tpu.wait_dma2 semaphore(%arg11 : memref<!tpu.dma_semaphore, #tpu.memory_space<semaphore_mem>>) src(%dma_wait3A_365 : memref<77x128xi32, #tpu.memory_space<hbm>>) dst(%dma_wait3A_358 : memref<77x128xi32, #tpu.memory_space<vmem>>)
      } else {
      }
      %add3A = arith.constant 1 : i32
      %add3A_319 = arith.addi %scan3A_177, %add3A : i32
      %lt3A_320 = arith.constant 157 : i32
      %lt3A_321 = arith.cmpi slt, %add3A_319, %lt3A_320 : i32
      %convert_element_type3A_322 = arith.extui %lt3A_321 : i1 to i32
      %cond3A_323 = arith.constant 0 : i32
      %cond3A_324 = arith.cmpi ne, %convert_element_type3A_322, %cond3A_323 : i32
      scf.if %cond3A_324 {
        %add3A_346 = arith.constant 1 : i32
        %add3A_347 = arith.addi %scan3A_177, %add3A_346 : i32
        %rem3A_348 = arith.constant 80 : i32
        %rem3A_349 = arith.remsi %add3A_347, %rem3A_348 : i32
        %sub3A = arith.constant 1 : i32
        %sub3A_350 = arith.subi %sub3A, %rem3A_178 : i32
        %get3A_351 = arith.index_cast %rem3A_349 : i32 to index
        %get3A_352 = arith.constant 0 : index
        %get3A_353 = tpu.vector_load %arg5[%get3A_351, %get3A_352] {strides = array<i32>} : memref<80x128xi32, #tpu.memory_space<vmem>>, vector<1x16xi32>,
        %get3A_354 = vector.shape_cast %get3A_353 : vector<1x16xi32> to vector<16xi32>
        %and3A_355 = arith.constant 65535 : i32
        %and3A_356 = vector.broadcast %and3A_355 : i32 to vector<16xi32>
        %and3A_357 = arith.andi %get3A_354, %and3A_356 : vector<16xi32>
        %swap3A_358 = arith.index_cast %sub3A_350 : i32 to index
        %swap3A_359 = arith.constant 0 : index
        %swap3A_360 = tpu.vector_load %arg6[%swap3A_358, %swap3A_359] {strides = array<i32>} : memref<2x128xi32, #tpu.memory_space<vmem>>, vector<1x16xi32>,
        %swap3A_361 = vector.shape_cast %swap3A_360 : vector<1x16xi32> to vector<16xi32>
        %swap3A_362 = vector.shape_cast %and3A_357 : vector<16xi32> to vector<1x16xi32>
        tpu.vector_store %arg6[%swap3A_358, %swap3A_359], %swap3A_362 {strides = array<i32>} : memref<2x128xi32, #tpu.memory_space<vmem>>, vector<1x16xi32>,
        %get3A_363 = arith.index_cast %rem3A_349 : i32 to index
        %get3A_364 = arith.constant 16 : index
        %get3A_365 = tpu.vector_load %arg5[%get3A_363, %get3A_364] {strides = array<i32>} : memref<80x128xi32, #tpu.memory_space<vmem>>, vector<1x16xi32>,
        %get3A_366 = vector.shape_cast %get3A_365 : vector<1x16xi32> to vector<16xi32>
        %and3A_367 = arith.constant 65535 : i32
        %and3A_368 = vector.broadcast %and3A_367 : i32 to vector<16xi32>
        %and3A_369 = arith.andi %get3A_366, %and3A_368 : vector<16xi32>
        %swap3A_370 = arith.index_cast %sub3A_350 : i32 to index
        %swap3A_371 = arith.constant 16 : index
        %swap3A_372 = tpu.vector_load %arg6[%swap3A_370, %swap3A_371] {strides = array<i32>} : memref<2x128xi32, #tpu.memory_space<vmem>>, vector<1x16xi32>,
        %swap3A_373 = vector.shape_cast %swap3A_372 : vector<1x16xi32> to vector<16xi32>
        %swap3A_374 = vector.shape_cast %and3A_369 : vector<16xi32> to vector<1x16xi32>
        tpu.vector_store %arg6[%swap3A_370, %swap3A_371], %swap3A_374 {strides = array<i32>} : memref<2x128xi32, #tpu.memory_space<vmem>>, vector<1x16xi32>,
        %get3A_375 = arith.index_cast %rem3A_349 : i32 to index
        %get3A_376 = arith.constant 32 : index
        %get3A_377 = tpu.vector_load %arg5[%get3A_375, %get3A_376] {strides = array<i32>} : memref<80x128xi32, #tpu.memory_space<vmem>>, vector<1x16xi32>,
        %get3A_378 = vector.shape_cast %get3A_377 : vector<1x16xi32> to vector<16xi32>
        %and3A_379 = arith.constant 65535 : i32
        %and3A_380 = vector.broadcast %and3A_379 : i32 to vector<16xi32>
        %and3A_381 = arith.andi %get3A_378, %and3A_380 : vector<16xi32>
        %swap3A_382 = arith.index_cast %sub3A_350 : i32 to index
        %swap3A_383 = arith.constant 32 : index
        %swap3A_384 = tpu.vector_load %arg6[%swap3A_382, %swap3A_383] {strides = array<i32>} : memref<2x128xi32, #tpu.memory_space<vmem>>, vector<1x16xi32>,
        %swap3A_385 = vector.shape_cast %swap3A_384 : vector<1x16xi32> to vector<16xi32>
        %swap3A_386 = vector.shape_cast %and3A_381 : vector<16xi32> to vector<1x16xi32>
        tpu.vector_store %arg6[%swap3A_382, %swap3A_383], %swap3A_386 {strides = array<i32>} : memref<2x128xi32, #tpu.memory_space<vmem>>, vector<1x16xi32>,
        %get3A_387 = arith.index_cast %rem3A_349 : i32 to index
        %get3A_388 = arith.constant 48 : index
        %get3A_389 = tpu.vector_load %arg5[%get3A_387, %get3A_388] {strides = array<i32>} : memref<80x128xi32, #tpu.memory_space<vmem>>, vector<1x16xi32>,
        %get3A_390 = vector.shape_cast %get3A_389 : vector<1x16xi32> to vector<16xi32>
        %and3A_391 = arith.constant 65535 : i32
        %and3A_392 = vector.broadcast %and3A_391 : i32 to vector<16xi32>
        %and3A_393 = arith.andi %get3A_390, %and3A_392 : vector<16xi32>
        %swap3A_394 = arith.index_cast %sub3A_350 : i32 to index
        %swap3A_395 = arith.constant 48 : index
        %swap3A_396 = tpu.vector_load %arg6[%swap3A_394, %swap3A_395] {strides = array<i32>} : memref<2x128xi32, #tpu.memory_space<vmem>>, vector<1x16xi32>,
        %swap3A_397 = vector.shape_cast %swap3A_396 : vector<1x16xi32> to vector<16xi32>
        %swap3A_398 = vector.shape_cast %and3A_393 : vector<16xi32> to vector<1x16xi32>
        tpu.vector_store %arg6[%swap3A_394, %swap3A_395], %swap3A_398 {strides = array<i32>} : memref<2x128xi32, #tpu.memory_space<vmem>>, vector<1x16xi32>,
        %get3A_399 = arith.index_cast %rem3A_349 : i32 to index
        %get3A_400 = arith.constant 64 : index
        %get3A_401 = tpu.vector_load %arg5[%get3A_399, %get3A_400] {strides = array<i32>} : memref<80x128xi32, #tpu.memory_space<vmem>>, vector<1x16xi32>,
        %get3A_402 = vector.shape_cast %get3A_401 : vector<1x16xi32> to vector<16xi32>
        %and3A_403 = arith.constant 65535 : i32
        %and3A_404 = vector.broadcast %and3A_403 : i32 to vector<16xi32>
        %and3A_405 = arith.andi %get3A_402, %and3A_404 : vector<16xi32>
        %swap3A_406 = arith.index_cast %sub3A_350 : i32 to index
        %swap3A_407 = arith.constant 64 : index
        %swap3A_408 = tpu.vector_load %arg6[%swap3A_406, %swap3A_407] {strides = array<i32>} : memref<2x128xi32, #tpu.memory_space<vmem>>, vector<1x16xi32>,
        %swap3A_409 = vector.shape_cast %swap3A_408 : vector<1x16xi32> to vector<16xi32>
        %swap3A_410 = vector.shape_cast %and3A_405 : vector<16xi32> to vector<1x16xi32>
        tpu.vector_store %arg6[%swap3A_406, %swap3A_407], %swap3A_410 {strides = array<i32>} : memref<2x128xi32, #tpu.memory_space<vmem>>, vector<1x16xi32>,
        %get3A_411 = arith.index_cast %rem3A_349 : i32 to index
        %get3A_412 = arith.constant 80 : index
        %get3A_413 = tpu.vector_load %arg5[%get3A_411, %get3A_412] {strides = array<i32>} : memref<80x128xi32, #tpu.memory_space<vmem>>, vector<1x16xi32>,
        %get3A_414 = vector.shape_cast %get3A_413 : vector<1x16xi32> to vector<16xi32>
        %and3A_415 = arith.constant 65535 : i32
        %and3A_416 = vector.broadcast %and3A_415 : i32 to vector<16xi32>
        %and3A_417 = arith.andi %get3A_414, %and3A_416 : vector<16xi32>
        %swap3A_418 = arith.index_cast %sub3A_350 : i32 to index
        %swap3A_419 = arith.constant 80 : index
        %swap3A_420 = tpu.vector_load %arg6[%swap3A_418, %swap3A_419] {strides = array<i32>} : memref<2x128xi32, #tpu.memory_space<vmem>>, vector<1x16xi32>,
        %swap3A_421 = vector.shape_cast %swap3A_420 : vector<1x16xi32> to vector<16xi32>
        %swap3A_422 = vector.shape_cast %and3A_417 : vector<16xi32> to vector<1x16xi32>
        tpu.vector_store %arg6[%swap3A_418, %swap3A_419], %swap3A_422 {strides = array<i32>} : memref<2x128xi32, #tpu.memory_space<vmem>>, vector<1x16xi32>,
        %get3A_423 = arith.index_cast %rem3A_349 : i32 to index
        %get3A_424 = arith.constant 96 : index
        %get3A_425 = tpu.vector_load %arg5[%get3A_423, %get3A_424] {strides = array<i32>} : memref<80x128xi32, #tpu.memory_space<vmem>>, vector<1x16xi32>,
        %get3A_426 = vector.shape_cast %get3A_425 : vector<1x16xi32> to vector<16xi32>
        %and3A_427 = arith.constant 65535 : i32
        %and3A_428 = vector.broadcast %and3A_427 : i32 to vector<16xi32>
        %and3A_429 = arith.andi %get3A_426, %and3A_428 : vector<16xi32>
        %swap3A_430 = arith.index_cast %sub3A_350 : i32 to index
        %swap3A_431 = arith.constant 96 : index
        %swap3A_432 = tpu.vector_load %arg6[%swap3A_430, %swap3A_431] {strides = array<i32>} : memref<2x128xi32, #tpu.memory_space<vmem>>, vector<1x16xi32>,
        %swap3A_433 = vector.shape_cast %swap3A_432 : vector<1x16xi32> to vector<16xi32>
        %swap3A_434 = vector.shape_cast %and3A_429 : vector<16xi32> to vector<1x16xi32>
        tpu.vector_store %arg6[%swap3A_430, %swap3A_431], %swap3A_434 {strides = array<i32>} : memref<2x128xi32, #tpu.memory_space<vmem>>, vector<1x16xi32>,
        %get3A_435 = arith.index_cast %rem3A_349 : i32 to index
        %get3A_436 = arith.constant 112 : index
        %get3A_437 = tpu.vector_load %arg5[%get3A_435, %get3A_436] {strides = array<i32>} : memref<80x128xi32, #tpu.memory_space<vmem>>, vector<1x16xi32>,
        %get3A_438 = vector.shape_cast %get3A_437 : vector<1x16xi32> to vector<16xi32>
        %and3A_439 = arith.constant 65535 : i32
        %and3A_440 = vector.broadcast %and3A_439 : i32 to vector<16xi32>
        %and3A_441 = arith.andi %get3A_438, %and3A_440 : vector<16xi32>
        %swap3A_442 = arith.index_cast %sub3A_350 : i32 to index
        %swap3A_443 = arith.constant 112 : index
        %swap3A_444 = tpu.vector_load %arg6[%swap3A_442, %swap3A_443] {strides = array<i32>} : memref<2x128xi32, #tpu.memory_space<vmem>>, vector<1x16xi32>,
        %swap3A_445 = vector.shape_cast %swap3A_444 : vector<1x16xi32> to vector<16xi32>
        %swap3A_446 = vector.shape_cast %and3A_441 : vector<16xi32> to vector<1x16xi32>
        tpu.vector_store %arg6[%swap3A_442, %swap3A_443], %swap3A_446 {strides = array<i32>} : memref<2x128xi32, #tpu.memory_space<vmem>>, vector<1x16xi32>,
      } else {
      }
      %dma_wait3A_325 = arith.constant 0 : i32
      %dma_wait3A_326 = arith.constant 0 : i32
      %dma_wait3A_327 = tpu.memref_slice %arg8[%rem3A_178, %dma_wait3A_325, %dma_wait3A_326] : memref<2x128x128xf32, #tpu.memory_space<vmem>> -> memref<1x128x128xf32, #tpu.memory_space<vmem>>
      %dma_wait3A_328 = tpu.memref_squeeze %dma_wait3A_327 : memref<1x128x128xf32, #tpu.memory_space<vmem>> -> memref<128x128xf32, #tpu.memory_space<vmem>>
      %dma_wait3A_329 = arith.constant 0 : i32
      %dma_wait3A_330 = tpu.memref_slice %arg6[%rem3A_178, %dma_wait3A_329] : memref<2x128xi32, #tpu.memory_space<vmem>> -> memref<1x128xi32, #tpu.memory_space<vmem>>
      %dma_wait3A_331 = tpu.memref_squeeze %dma_wait3A_330 : memref<1x128xi32, #tpu.memory_space<vmem>> -> memref<128xi32, #tpu.memory_space<vmem>>
      %dma_wait3A_332 = arith.constant 0 : i32
      %dma_wait3A_333 = arith.constant 0 : i32
      %dma_wait3A_334 = tpu.memref_slice %arg2[%arg0, %dma_wait3A_332, %dma_wait3A_333] : memref<2x10000x128xf32, #tpu.memory_space<hbm>> -> memref<1x10000x128xf32, #tpu.memory_space<hbm>>
      %dma_wait3A_335 = tpu.memref_squeeze %dma_wait3A_334 : memref<1x10000x128xf32, #tpu.memory_space<hbm>> -> memref<10000x128xf32, #tpu.memory_space<hbm>>
      %dma_wait3A_336 = arith.constant 0 : i32
      %dma_wait3A_337 = arith.constant 0 : i32
      %dma_wait3A_338 = tpu.memref_slice %dma_wait3A_335[%dma_wait3A_336, %dma_wait3A_337] : memref<10000x128xf32, #tpu.memory_space<hbm>> -> memref<10000x128xf32, #tpu.memory_space<hbm>>
      tpu.wait_indirect_dma semaphore(%arg10 : memref<!tpu.dma_semaphore, #tpu.memory_space<semaphore_mem>>) src(%dma_wait3A_338 : memref<10000x128xf32, #tpu.memory_space<hbm>>) dst(%dma_wait3A_328 : memref<128x128xf32, #tpu.memory_space<vmem>>)
      %add3A_339 = arith.constant 1 : i32
      %add3A_340 = arith.addi %scan3A_177, %add3A_339 : i32
      %lt3A_341 = arith.constant 157 : i32
      %lt3A_342 = arith.cmpi slt, %add3A_340, %lt3A_341 : i32
      %convert_element_type3A_343 = arith.extui %lt3A_342 : i1 to i32
      %cond3A_344 = arith.constant 0 : i32
      %cond3A_345 = arith.cmpi ne, %convert_element_type3A_343, %cond3A_344 : i32
      scf.if %cond3A_345 {
        %sub3A = arith.constant 1 : i32
        %sub3A_346 = arith.subi %sub3A, %rem3A_178 : i32
        %sub3A_347 = arith.constant 1 : i32
        %sub3A_348 = arith.subi %sub3A_347, %rem3A_178 : i32
        %dma_start3A_349 = arith.constant 0 : i32
        %dma_start3A_350 = arith.constant 0 : i32
        %dma_start3A_351 = tpu.memref_slice %arg8[%sub3A_348, %dma_start3A_349, %dma_start3A_350] : memref<2x128x128xf32, #tpu.memory_space<vmem>> -> memref<1x128x128xf32, #tpu.memory_space<vmem>>
        %dma_start3A_352 = tpu.memref_squeeze %dma_start3A_351 : memref<1x128x128xf32, #tpu.memory_space<vmem>> -> memref<128x128xf32, #tpu.memory_space<vmem>>
        %dma_start3A_353 = arith.constant 0 : i32
        %dma_start3A_354 = tpu.memref_slice %arg6[%sub3A_346, %dma_start3A_353] : memref<2x128xi32, #tpu.memory_space<vmem>> -> memref<1x128xi32, #tpu.memory_space<vmem>>
        %dma_start3A_355 = tpu.memref_squeeze %dma_start3A_354 : memref<1x128xi32, #tpu.memory_space<vmem>> -> memref<128xi32, #tpu.memory_space<vmem>>
        %dma_start3A_356 = arith.constant 0 : i32
        %dma_start3A_357 = arith.constant 0 : i32
        %dma_start3A_358 = tpu.memref_slice %arg2[%arg0, %dma_start3A_356, %dma_start3A_357] : memref<2x10000x128xf32, #tpu.memory_space<hbm>> -> memref<1x10000x128xf32, #tpu.memory_space<hbm>>
        %dma_start3A_359 = tpu.memref_squeeze %dma_start3A_358 : memref<1x10000x128xf32, #tpu.memory_space<hbm>> -> memref<10000x128xf32, #tpu.memory_space<hbm>>
        %dma_start3A_360 = arith.constant 0 : i32
        %dma_start3A_361 = arith.constant 0 : i32
        %dma_start3A_362 = tpu.memref_slice %dma_start3A_359[%dma_start3A_360, %dma_start3A_361] : memref<10000x128xf32, #tpu.memory_space<hbm>> -> memref<10000x128xf32, #tpu.memory_space<hbm>>
        tpu.enqueue_indirect_dma source(%dma_start3A_362 : memref<10000x128xf32, #tpu.memory_space<hbm>>) target(%dma_start3A_352 : memref<128x128xf32, #tpu.memory_space<vmem>>) offsets(%dma_start3A_355 : memref<128xi32, #tpu.memory_space<vmem>>) semaphore(%arg10 : memref<!tpu.dma_semaphore, #tpu.memory_space<semaphore_mem>>)
      } else {
      }
      "tpu.region"() ({
        %run_scoped3A = tpu.sem_alloc : memref<!tpu.dma_semaphore, #tpu.memory_space<semaphore_mem>>
        %dma_start3A_346 = arith.constant 0 : i32
        %dma_start3A_347 = arith.constant 0 : i32
        %dma_start3A_348 = tpu.memref_slice %arg8[%rem3A_178, %dma_start3A_346, %dma_start3A_347] : memref<2x128x128xf32, #tpu.memory_space<vmem>> -> memref<1x128x128xf32, #tpu.memory_space<vmem>>
        %dma_start3A_349 = tpu.memref_squeeze %dma_start3A_348 : memref<1x128x128xf32, #tpu.memory_space<vmem>> -> memref<128x128xf32, #tpu.memory_space<vmem>>
        %dma_start3A_350 = arith.constant 0 : i32
        %dma_start3A_351 = arith.constant 0 : i32
        %dma_start3A_352 = tpu.memref_slice %arg9[%dma_start3A_350, %dma_start3A_351] : memref<10080x128xf32, #tpu.memory_space<vmem_shared>> -> memref<10080x128xf32, #tpu.memory_space<vmem_shared>>
        tpu.enqueue_indirect_dma source(%dma_start3A_349 : memref<128x128xf32, #tpu.memory_space<vmem>>) target(%dma_start3A_352 : memref<10080x128xf32, #tpu.memory_space<vmem_shared>>) offsets(%arg7 : memref<128xi32, #tpu.memory_space<vmem>>) semaphore(%run_scoped3A : memref<!tpu.dma_semaphore, #tpu.memory_space<semaphore_mem>>) {add = true}
        %dma_wait3A_353 = arith.constant 0 : i32
        %dma_wait3A_354 = arith.constant 0 : i32
        %dma_wait3A_355 = tpu.memref_slice %arg8[%rem3A_178, %dma_wait3A_353, %dma_wait3A_354] : memref<2x128x128xf32, #tpu.memory_space<vmem>> -> memref<1x128x128xf32, #tpu.memory_space<vmem>>
        %dma_wait3A_356 = tpu.memref_squeeze %dma_wait3A_355 : memref<1x128x128xf32, #tpu.memory_space<vmem>> -> memref<128x128xf32, #tpu.memory_space<vmem>>
        %dma_wait3A_357 = arith.constant 0 : i32
        %dma_wait3A_358 = arith.constant 0 : i32
        %dma_wait3A_359 = tpu.memref_slice %arg9[%dma_wait3A_357, %dma_wait3A_358] : memref<10080x128xf32, #tpu.memory_space<vmem_shared>> -> memref<10080x128xf32, #tpu.memory_space<vmem_shared>>
        tpu.wait_indirect_dma semaphore(%run_scoped3A : memref<!tpu.dma_semaphore, #tpu.memory_space<semaphore_mem>>) src(%dma_wait3A_356 : memref<128x128xf32, #tpu.memory_space<vmem>>) dst(%dma_wait3A_359 : memref<10080x128xf32, #tpu.memory_space<vmem_shared>>)
        tpu.yield
      }) : () -> ()
    }
    %scan3A_169 = arith.constant 157 : i32
    %barrier3A_170 = arith.constant 0 : index
    tpu.barrier barrier_id(%barrier3A_170)
    %scan3A_171 = arith.constant 0 : i32
    %scan3A_172 = arith.constant 0 : i32
    %scan3A_173 = arith.constant 8 : i32
    %scan3A_174 = arith.addi %scan3A_172, %scan3A_173 : i32
    %scan3A_175 = arith.constant 1 : i32
    scf.for %scan3A_177 = %scan3A_172 to %scan3A_174 step %scan3A_175  : i32 {
      %mul3A = arith.constant 16 : i32
      %mul3A_178 = arith.muli %mul3A, %scan3A_177 : i32
      %add3A = arith.addi %arg1, %mul3A_178 : i32
      %lt3A = arith.constant 125 : i32
      %lt3A_179 = arith.cmpi slt, %add3A, %lt3A : i32
      %convert_element_type3A = arith.extui %lt3A_179 : i1 to i32
      %cond3A = arith.constant 0 : i32
      %cond3A_180 = arith.cmpi ne, %convert_element_type3A, %cond3A : i32
      scf.if %cond3A_180 {
        %mul3A_181 = arith.constant 80 : i32
        %mul3A_182 = arith.muli %mul3A_181, %add3A : i32
        %mul3A_183 = arith.constant 80 : i32
        %mul3A_184 = arith.muli %mul3A_183, %add3A : i32
        "tpu.region"() ({
          %run_scoped3A = tpu.sem_alloc : memref<!tpu.dma_semaphore, #tpu.memory_space<semaphore_mem>>
          %dma_start3A_185 = arith.constant 0 : i32
          %dma_start3A_186 = arith.constant 0 : i32
          %dma_start3A_187 = tpu.memref_slice %arg4[%arg0, %dma_start3A_185, %dma_start3A_186] : memref<2x10000x128xf32, #tpu.memory_space<hbm>> -> memref<1x10000x128xf32, #tpu.memory_space<hbm>>
          %dma_start3A_188 = tpu.memref_squeeze %dma_start3A_187 : memref<1x10000x128xf32, #tpu.memory_space<hbm>> -> memref<10000x128xf32, #tpu.memory_space<hbm>>
          %dma_start3A_189 = arith.constant 0 : i32
          %dma_start3A_190 = tpu.memref_slice %dma_start3A_188[%mul3A_184, %dma_start3A_189] : memref<10000x128xf32, #tpu.memory_space<hbm>> -> memref<80x128xf32, #tpu.memory_space<hbm>>
          %dma_start3A_191 = arith.constant 0 : i32
          %dma_start3A_192 = tpu.memref_slice %arg9[%mul3A_182, %dma_start3A_191] : memref<10080x128xf32, #tpu.memory_space<vmem_shared>> -> memref<80x128xf32, #tpu.memory_space<vmem_shared>>
          tpu.enqueue_dma source(%dma_start3A_192 : memref<80x128xf32, #tpu.memory_space<vmem_shared>>) target(%dma_start3A_190 : memref<80x128xf32, #tpu.memory_space<hbm>>) target_semaphore(%run_scoped3A : memref<!tpu.dma_semaphore, #tpu.memory_space<semaphore_mem>>)
          %dma_wait3A_193 = arith.constant 0 : i32
          %dma_wait3A_194 = arith.constant 0 : i32
          %dma_wait3A_195 = tpu.memref_slice %arg4[%arg0, %dma_wait3A_193, %dma_wait3A_194] : memref<2x10000x128xf32, #tpu.memory_space<hbm>> -> memref<1x10000x128xf32, #tpu.memory_space<hbm>>
          %dma_wait3A_196 = tpu.memref_squeeze %dma_wait3A_195 : memref<1x10000x128xf32, #tpu.memory_space<hbm>> -> memref<10000x128xf32, #tpu.memory_space<hbm>>
          %dma_wait3A_197 = arith.constant 0 : i32
          %dma_wait3A_198 = tpu.memref_slice %dma_wait3A_196[%mul3A_184, %dma_wait3A_197] : memref<10000x128xf32, #tpu.memory_space<hbm>> -> memref<80x128xf32, #tpu.memory_space<hbm>>
          %dma_wait3A_199 = arith.constant 0 : i32
          %dma_wait3A_200 = tpu.memref_slice %arg9[%mul3A_182, %dma_wait3A_199] : memref<10080x128xf32, #tpu.memory_space<vmem_shared>> -> memref<80x128xf32, #tpu.memory_space<vmem_shared>>
          tpu.wait_dma2 semaphore(%run_scoped3A : memref<!tpu.dma_semaphore, #tpu.memory_space<semaphore_mem>>) src(%dma_wait3A_200 : memref<80x128xf32, #tpu.memory_space<vmem_shared>>) dst(%dma_wait3A_198 : memref<80x128xf32, #tpu.memory_space<hbm>>)
          tpu.yield
        }) : () -> ()
      } else {
      }
    }
    %scan3A_176 = arith.constant 8 : i32
    return
  }
}

module attributes {stable_mosaic.version = 14 : i64} {
  func.func @_fin_body(%arg0: memref<2x10000x128xf32, #tpu.memory_space<vmem>>, %arg1: memref<2x10000x128xf32, #tpu.memory_space<vmem>>, %arg2: memref<20480xf32, #tpu.memory_space<vmem>>, %arg3: memref<128xf32, #tpu.memory_space<vmem>>, %arg4: memref<128xf32, #tpu.memory_space<vmem>>, %arg5: memref<10000x128xf32, #tpu.memory_space<vmem>>, %arg6: memref<10000x128xf32, #tpu.memory_space<vmem>>) attributes {dimension_semantics = [], scalar_prefetch = 0 : i64, scratch_operands = 0 : i64, tpu.core_type = #tpu.core_type<tc>} {
    %get3A = arith.constant 0 : index
    %get3A_0 = vector.load %arg2[%get3A] : memref<20480xf32, #tpu.memory_space<vmem>>, vector<10000xf32>
    %get3A_1 = arith.constant 10240 : index
    %get3A_2 = vector.load %arg2[%get3A_1] : memref<20480xf32, #tpu.memory_space<vmem>>, vector<10000xf32>
    %add3A = arith.addf %get3A_0, %get3A_2 : vector<10000xf32>
    %add3A_3 = arith.constant 1.000000e+00 : f32
    %add3A_4 = vector.broadcast %add3A_3 : f32 to vector<10000xf32>
    %add3A_5 = arith.addf %add3A, %add3A_4 : vector<10000xf32>
    %rsqrt3A = math.rsqrt %add3A_5 : vector<10000xf32>
    %broadcast_in_dim3A = vector.shape_cast %rsqrt3A : vector<10000xf32> to vector<10000x1xf32>
    %get3A_6 = arith.constant 0 : index
    %get3A_7 = arith.constant 0 : index
    %get3A_8 = arith.constant 0 : index
    %get3A_9 = vector.load %arg0[%get3A_6, %get3A_7, %get3A_8] : memref<2x10000x128xf32, #tpu.memory_space<vmem>>, vector<1x10000x128xf32>
    %get3A_10 = vector.shape_cast %get3A_9 : vector<1x10000x128xf32> to vector<10000x128xf32>
    %get3A_11 = arith.constant 0 : index
    %get3A_12 = arith.constant 0 : index
    %get3A_13 = arith.constant 0 : index
    %get3A_14 = vector.load %arg1[%get3A_11, %get3A_12, %get3A_13] : memref<2x10000x128xf32, #tpu.memory_space<vmem>>, vector<1x10000x128xf32>
    %get3A_15 = vector.shape_cast %get3A_14 : vector<1x10000x128xf32> to vector<10000x128xf32>
    %add3A_16 = arith.addf %get3A_10, %get3A_15 : vector<10000x128xf32>
    %mul3A = vector.broadcast %broadcast_in_dim3A : vector<10000x1xf32> to vector<10000x128xf32>
    %mul3A_17 = arith.mulf %add3A_16, %mul3A : vector<10000x128xf32>
    %get3A_18 = arith.constant 0 : index
    %get3A_19 = vector.load %arg3[%get3A_18] : memref<128xf32, #tpu.memory_space<vmem>>, vector<128xf32>
    %broadcast_in_dim3A_20 = vector.shape_cast %get3A_19 : vector<128xf32> to vector<1x128xf32>
    %add3A_21 = vector.broadcast %broadcast_in_dim3A_20 : vector<1x128xf32> to vector<10000x128xf32>
    %add3A_22 = arith.addf %mul3A_17, %add3A_21 : vector<10000x128xf32>
    %max3A = arith.constant 0.000000e+00 : f32
    %max3A_23 = vector.broadcast %max3A : f32 to vector<10000x128xf32>
    %max3A_24 = arith.maximumf %add3A_22, %max3A_23 : vector<10000x128xf32>
    %swap3A = arith.constant 0 : index
    %swap3A_25 = arith.constant 0 : index
    %swap3A_26 = vector.load %arg5[%swap3A, %swap3A_25] : memref<10000x128xf32, #tpu.memory_space<vmem>>, vector<10000x128xf32>
    tpu.vector_store %arg5[%swap3A, %swap3A_25], %max3A_24 {strides = array<i32>} : memref<10000x128xf32, #tpu.memory_space<vmem>>, vector<10000x128xf32>,
    %get3A_27 = arith.constant 1 : index
    %get3A_28 = arith.constant 0 : index
    %get3A_29 = arith.constant 0 : index
    %get3A_30 = vector.load %arg0[%get3A_27, %get3A_28, %get3A_29] : memref<2x10000x128xf32, #tpu.memory_space<vmem>>, vector<1x10000x128xf32>
    %get3A_31 = vector.shape_cast %get3A_30 : vector<1x10000x128xf32> to vector<10000x128xf32>
    %get3A_32 = arith.constant 1 : index
    %get3A_33 = arith.constant 0 : index
    %get3A_34 = arith.constant 0 : index
    %get3A_35 = vector.load %arg1[%get3A_32, %get3A_33, %get3A_34] : memref<2x10000x128xf32, #tpu.memory_space<vmem>>, vector<1x10000x128xf32>
    %get3A_36 = vector.shape_cast %get3A_35 : vector<1x10000x128xf32> to vector<10000x128xf32>
    %add3A_37 = arith.addf %get3A_31, %get3A_36 : vector<10000x128xf32>
    %mul3A_38 = vector.broadcast %broadcast_in_dim3A : vector<10000x1xf32> to vector<10000x128xf32>
    %mul3A_39 = arith.mulf %add3A_37, %mul3A_38 : vector<10000x128xf32>
    %get3A_40 = arith.constant 0 : index
    %get3A_41 = vector.load %arg4[%get3A_40] : memref<128xf32, #tpu.memory_space<vmem>>, vector<128xf32>
    %broadcast_in_dim3A_42 = vector.shape_cast %get3A_41 : vector<128xf32> to vector<1x128xf32>
    %add3A_43 = vector.broadcast %broadcast_in_dim3A_42 : vector<1x128xf32> to vector<10000x128xf32>
    %add3A_44 = arith.addf %mul3A_39, %add3A_43 : vector<10000x128xf32>
    %max3A_45 = arith.constant 0.000000e+00 : f32
    %max3A_46 = vector.broadcast %max3A_45 : f32 to vector<10000x128xf32>
    %max3A_47 = arith.maximumf %add3A_44, %max3A_46 : vector<10000x128xf32>
    %swap3A_48 = arith.constant 0 : index
    %swap3A_49 = arith.constant 0 : index
    %swap3A_50 = vector.load %arg6[%swap3A_48, %swap3A_49] : memref<10000x128xf32, #tpu.memory_space<vmem>>, vector<10000x128xf32>
    tpu.vector_store %arg6[%swap3A_48, %swap3A_49], %max3A_47 {strides = array<i32>} : memref<10000x128xf32, #tpu.memory_space<vmem>>, vector<10000x128xf32>,
    return
  }
}

module attributes {stable_mosaic.version = 14 : i64} {
  func.func @_mm_body(%arg0: memref<10000x128xf32, #tpu.memory_space<vmem>>, %arg1: memref<10000x128xf32, #tpu.memory_space<vmem>>, %arg2: memref<128x128xf32, #tpu.memory_space<vmem>>, %arg3: memref<128x128xf32, #tpu.memory_space<vmem>>, %arg4: memref<20480xf32, #tpu.memory_space<vmem>>, %arg5: memref<2x10000x128xf32, #tpu.memory_space<vmem>>) attributes {dimension_semantics = [], scalar_prefetch = 0 : i64, scratch_operands = 0 : i64, tpu.core_type = #tpu.core_type<tc>} {
    %get3A = arith.constant 0 : index
    %get3A_0 = vector.load %arg4[%get3A] : memref<20480xf32, #tpu.memory_space<vmem>>, vector<10000xf32>
    %get3A_1 = arith.constant 10240 : index
    %get3A_2 = vector.load %arg4[%get3A_1] : memref<20480xf32, #tpu.memory_space<vmem>>, vector<10000xf32>
    %add3A = arith.addf %get3A_0, %get3A_2 : vector<10000xf32>
    %add3A_3 = arith.constant 1.000000e+00 : f32
    %add3A_4 = vector.broadcast %add3A_3 : f32 to vector<10000xf32>
    %add3A_5 = arith.addf %add3A, %add3A_4 : vector<10000xf32>
    %rsqrt3A = math.rsqrt %add3A_5 : vector<10000xf32>
    %broadcast_in_dim3A = vector.shape_cast %rsqrt3A : vector<10000xf32> to vector<10000x1xf32>
    %get3A_6 = arith.constant 0 : index
    %get3A_7 = arith.constant 0 : index
    %get3A_8 = vector.load %arg0[%get3A_6, %get3A_7] : memref<10000x128xf32, #tpu.memory_space<vmem>>, vector<10000x128xf32>
    %get3A_9 = arith.constant 0 : index
    %get3A_10 = arith.constant 0 : index
    %get3A_11 = vector.load %arg2[%get3A_9, %get3A_10] : memref<128x128xf32, #tpu.memory_space<vmem>>, vector<128x128xf32>
    %dot_general3A = arith.constant dense<0.000000e+00> : vector<10000x128xf32>
    %dot_general3A_12 = tpu.matmul %get3A_8, %get3A_11, %dot_general3A {dimension_numbers = #tpu.dot_dimension_numbers<[1], [1], [0], [0], [0, 0, 1, 0], [], []>, transpose_lhs_hint = false} : vector<10000x128xf32>, vector<128x128xf32>, vector<10000x128xf32> -> vector<10000x128xf32>
    %mul3A = vector.broadcast %broadcast_in_dim3A : vector<10000x1xf32> to vector<10000x128xf32>
    %mul3A_13 = arith.mulf %dot_general3A_12, %mul3A : vector<10000x128xf32>
    %swap3A = arith.constant 0 : index
    %swap3A_14 = arith.constant 0 : index
    %swap3A_15 = arith.constant 0 : index
    %swap3A_16 = vector.load %arg5[%swap3A, %swap3A_14, %swap3A_15] : memref<2x10000x128xf32, #tpu.memory_space<vmem>>, vector<1x10000x128xf32>
    %swap3A_17 = vector.shape_cast %swap3A_16 : vector<1x10000x128xf32> to vector<10000x128xf32>
    %swap3A_18 = vector.shape_cast %mul3A_13 : vector<10000x128xf32> to vector<1x10000x128xf32>
    tpu.vector_store %arg5[%swap3A, %swap3A_14, %swap3A_15], %swap3A_18 {strides = array<i32>} : memref<2x10000x128xf32, #tpu.memory_space<vmem>>, vector<1x10000x128xf32>,
    %get3A_19 = arith.constant 0 : index
    %get3A_20 = arith.constant 0 : index
    %get3A_21 = vector.load %arg1[%get3A_19, %get3A_20] : memref<10000x128xf32, #tpu.memory_space<vmem>>, vector<10000x128xf32>
    %get3A_22 = arith.constant 0 : index
    %get3A_23 = arith.constant 0 : index
    %get3A_24 = vector.load %arg3[%get3A_22, %get3A_23] : memref<128x128xf32, #tpu.memory_space<vmem>>, vector<128x128xf32>
    %dot_general3A_25 = arith.constant dense<0.000000e+00> : vector<10000x128xf32>
    %dot_general3A_26 = tpu.matmul %get3A_21, %get3A_24, %dot_general3A_25 {dimension_numbers = #tpu.dot_dimension_numbers<[1], [1], [0], [0], [0, 0, 1, 0], [], []>, transpose_lhs_hint = false} : vector<10000x128xf32>, vector<128x128xf32>, vector<10000x128xf32> -> vector<10000x128xf32>
    %mul3A_27 = vector.broadcast %broadcast_in_dim3A : vector<10000x1xf32> to vector<10000x128xf32>
    %mul3A_28 = arith.mulf %dot_general3A_26, %mul3A_27 : vector<10000x128xf32>
    %swap3A_29 = arith.constant 1 : index
    %swap3A_30 = arith.constant 0 : index
    %swap3A_31 = arith.constant 0 : index
    %swap3A_32 = vector.load %arg5[%swap3A_29, %swap3A_30, %swap3A_31] : memref<2x10000x128xf32, #tpu.memory_space<vmem>>, vector<1x10000x128xf32>
    %swap3A_33 = vector.shape_cast %swap3A_32 : vector<1x10000x128xf32> to vector<10000x128xf32>
    %swap3A_34 = vector.shape_cast %mul3A_28 : vector<10000x128xf32> to vector<1x10000x128xf32>
    tpu.vector_store %arg5[%swap3A_29, %swap3A_30, %swap3A_31], %swap3A_34 {strides = array<i32>} : memref<2x10000x128xf32, #tpu.memory_space<vmem>>, vector<1x10000x128xf32>,
    return
  }
}

</mosaic_0001>

<sc_bundles>
// kernel: kernel.6.cloned.1.call-start
scs
__scs_entry_jumppad:
0x0: {  	(pc) =	sbr.rel $0x88, $3  }
0x1: {  	(tag) =	ssettag $0x0;
	lr =	simm.s32 $0x1  }
0x2: {  	[smem:$0x3F9A] =	sst lr;
	_ =	strace $0xD0000000  }
0x3: {  	_ = 	snop  }
0x4: {  	_ = 	snop  }
0x5: {  	_ = 	snop  }
0x6: {  	_ = 	snop  }
0x7: {  	_ = 	snop  }
__scs_overlays_trampoline_lowered:
0x8: {  	[smem:$0x3FA9] =	sst s0  }
0x9: {  	[smem:$0x3FAA] =	sst s1  }
0xa: {  	[smem:$0x3FAB] =	sst s2  }
0xb: {  	[smem:$0x3FAC] =	sst s3  }
0xc: {  	[smem:$0x3FAD] =	sst s4  }
0xd: {  	[smem:$0x3FAE] =	sst s5  }
0xe: {  	[smem:$0x3FAF] =	sst s6  }
0xf: {  	[smem:$0x3FB0] =	sst s7  }
0x10: {  	[smem:$0x3FB1] =	sst s8  }
0x11: {  	[smem:$0x3FB2] =	sst s9;
	s0 =	simm.s32 @!p0 $0x0  }
0x12: {  	s1 =	sld [smem:$0x3F98];
	s0 =	simm.s32 @p0 $0x1  }
0x13: {  	[smem:$0x3FB3] =	sst s0;
	s0 =	simm.s32 @!p1 $0x0  }
0x14: {  	s2 =	sld [smem:$0x3F97];
	s0 =	simm.s32 @p1 $0x1  }
0x15: {  	[smem:$0x3FB4] =	sst s0;
	s0 =	simm.s32 @!p2 $0x0  }
0x16: {  	s3 =	sld [smem:$0x3FDB];
	s0 =	simm.s32 @p2 $0x1  }
0x17: {  	s4 =	simm.s32 $0x1BF5;
	[smem:$0x3FB6] =	sst s0  }
0x18: {  	s0 =	sld [smem:$0x3F99];
	_ =	swait.ge [sflag:s4], $0x0  }
0x19: {  	s7 =	sld [smem:$0x3F9A]  }
0x1a: {  	s8 =	sadd.s32 $0xFFFFE003, lr  }
0x1b: {  	s9 =	sadd.s32 $0xFFFFFEF7, lr;
	s5 =	simm.s32 $0xFFFFFFFF;
	p2 =	slt.u32 s8, $0xFFFFF086  }
0x1c: {  	p1 =	slt.u32 s9, $0xF7A;
	s5 =	simm.s32 @!p2 $0x0  }
0x1d: {  	s5 =	simm.s32 @p1 $0x1;
	p0 =	seq.s32 s7, s2  }
0x1e: {  	s7 =	smul.u32 @!p0 $0xF7A, s2;
	p2 =	seq.s32 @!p0 s5, $0x0  }
0x1f: {  	s9 =	smul.u32 $0xF7A, s1;
	s8 =	simm.s32 @!p0 $0x1BF5;
	p2 =	por !p2, p0  }
0x20: {  	[sflag:s8] =	ssyncset.s32 @!p0 $0xFFFFF086;
	s6 =	sadd.s32 @!p0 s3, s7;
	s7 =	simm.s32 @!p0 $0x108  }
0x21: {  	s3 =	sadd.s32 s3, s9;
	s6 =	sadd.s32 @!p0 $0x88, s6;
	s7 =	simm.s32 @p2 $0x1082  }
0x22: {  	[simem:s7], [sflag:s8] =	dma.local @!p0 [hbm:s6], $0xF7A  }
0x23: {  	s9 =	sor.u32 $0xD0000000, s2;
	s6 =	simm.s32 $0x108;
	_ =	swait.ge @!p0 [sflag:s8], $0x0  }
0x24: {  	s3 =	sadd.s32 $0x88, s3;
	s6 =	simm.s32 @!p1 $0x1082;
	[sflag:s4] =	ssyncset.s32 $0xFFFFF086  }
0x25: {  	[simem:s6], [sflag:s4] =	dma.local [hbm:s3], $0xF7A  }
0x26: {  	[smem:$0x3F9A] =	sst s1;
	(tag) =	ssettag s2;
	_ =	strace s9  }
0x27: {  	s1 =	sld [smem:$0x3FAA]  }
0x28: {  	s2 =	sld [smem:$0x3FAB]  }
0x29: {  	s4 =	sld [smem:$0x3FAD]  }
0x2a: {  	p0 =	seq.s32 s5, $0x0;
	s5 =	sld [smem:$0x3FAE]  }
0x2b: {  	s6 =	sld [smem:$0x3FAF]  }
0x2c: {  	s7 =	sld [smem:$0x3FB0]  }
0x2d: {  	s3 =	simm.s32 $0x108;
	s8 =	sld [smem:$0x3FB1]  }
0x2e: {  	s3 =	simm.s32 @!p0 $0x1082;
	s9 =	sld [smem:$0x3FB2]  }
0x2f: {  	lr =	sadd.s32 s0, s3;
	s0 =	sld [smem:$0x3FA9]  }
0x30: {  	s3 =	sld [smem:$0x3FAC]  }
0x31: {  	[smem:$0x3FB5] =	sst s10  }
0x32: {  	s10 =	sld [smem:$0x3FB3];
	_ =	sdelay $0x3  }
0x33: {  	p0 =	seq.s32 s10, $0x1;
	s10 =	sld [smem:$0x3FB5];
	_ =	sdelay $0x3  }
0x34: {  	[smem:$0x3FB5] =	sst s10  }
0x35: {  	s10 =	sld [smem:$0x3FB4];
	_ =	sdelay $0x3  }
0x36: {  	p1 =	seq.s32 s10, $0x1;
	s10 =	sld [smem:$0x3FB5];
	_ =	sdelay $0x3  }
0x37: {  	[smem:$0x3FB5] =	sst s10  }
0x38: {  	s10 =	sld [smem:$0x3FB6]  }
0x39: {  	_ = 	snop;
	(pc) =	sbr.ind lr, $3  }
0x3a: {  	_ = 	snop  }
0x3b: {  	_ = 	snop  }
0x3c: {  	p2 =	seq.s32 s10, $0x1;
	s10 =	sld [smem:$0x3FB5]  }
0x3d: {  	_ =	shalt  }
0x3e: {  	_ =	shalt  }
0x3f: {  	_ =	shalt  }
0x40: {  	_ =	shalt  }
0x41: {  	_ =	shalt  }
0x42: {  	_ =	shalt  }
0x43: {  	_ =	shalt  }
0x44: {  	_ =	shalt  }
0x45: {  	_ =	shalt  }
0x46: {  	_ =	shalt  }
0x47: {  	_ =	shalt  }
0x48: {  	_ =	shalt  }
0x49: {  	_ =	shalt  }
0x4a: {  	_ =	shalt  }
0x4b: {  	_ =	shalt  }
0x4c: {  	_ =	shalt  }
0x4d: {  	_ =	shalt  }
0x4e: {  	_ =	shalt  }
0x4f: {  	_ =	shalt  }
0x50: {  	_ =	shalt  }
0x51: {  	_ =	shalt  }
0x52: {  	_ =	shalt  }
0x53: {  	_ =	shalt  }
0x54: {  	_ =	shalt  }
0x55: {  	_ =	shalt  }
0x56: {  	_ =	shalt  }
0x57: {  	_ =	shalt  }
0x58: {  	_ =	shalt  }
0x59: {  	_ =	shalt  }
0x5a: {  	_ =	shalt  }
0x5b: {  	_ =	shalt  }
0x5c: {  	_ =	shalt  }
0x5d: {  	_ =	shalt  }
0x5e: {  	_ =	shalt  }
0x5f: {  	_ =	shalt  }
0x60: {  	_ =	shalt  }
0x61: {  	_ =	shalt  }
0x62: {  	_ =	shalt  }
0x63: {  	_ =	shalt  }
0x64: {  	_ =	shalt  }
0x65: {  	_ =	shalt  }
0x66: {  	_ =	shalt  }
0x67: {  	_ =	shalt  }
0x68: {  	_ =	shalt  }
0x69: {  	_ =	shalt  }
0x6a: {  	_ =	shalt  }
0x6b: {  	_ =	shalt  }
0x6c: {  	_ =	shalt  }
0x6d: {  	_ =	shalt  }
0x6e: {  	_ =	shalt  }
0x6f: {  	_ =	shalt  }
0x70: {  	_ =	shalt  }
0x71: {  	_ =	shalt  }
0x72: {  	_ =	shalt  }
0x73: {  	_ =	shalt  }
0x74: {  	_ =	shalt  }
0x75: {  	_ =	shalt  }
0x76: {  	_ =	shalt  }
0x77: {  	_ =	shalt  }
0x78: {  	_ =	shalt  }
0x79: {  	_ =	shalt  }
0x7a: {  	_ =	shalt  }
0x7b: {  	_ =	shalt  }
0x7c: {  	_ =	shalt  }
0x7d: {  	_ =	shalt  }
0x7e: {  	_ =	shalt  }
0x7f: {  	_ =	shalt  }
0x80: {  	_ =	shalt  }
0x81: {  	_ =	shalt  }
0x82: {  	_ =	shalt  }
0x83: {  	_ =	shalt  }
0x84: {  	_ =	shalt  }
0x85: {  	_ =	shalt  }
0x86: {  	_ =	shalt  }
0x87: {  	_ =	shalt  }
.Lfunc_end0:
.L_simem_size_0:
called_computation_lowered:
.L_overlay_start_0:
0x88: {  	s2 =	sld [smem:$0x3FD9]  }
0x89: {  	s3 =	sld [smem:$0x3FFE];
	_ =	sdelay $0x1  }
0x8a: {  	s1 =	srdreg.scid  }
0x8b: {  	s0 =	sand.u32 $0x1, s1  }
0x8c: {  	s14 =	sshll.u32 s0, $0xA;
	s2 =	sadd.s32 s3, s2  }
0x8d: {  	s2 =	sadd.s32 s2, s14  }
0x8e: {  	[smem:$0x3FC1] =	sst s2  }
0x8f: {  	_ = 	snop  }
0x90: {  	s2 =	sld [smem:$0x3FD0];
	_ =	sdelay $0x2  }
0x91: {  	s15 =	simm.s32 $0xA;
	s4 =	simm.s32 $0x10  }
0x92: {  	[smem:s4], [sflag:s15] =	dma.local [hbm:s2], $0x1  }
0x93: {  	_ =	swait.eq [sflag:s15], $0x1  }
0x94: {  	[sflag:s15] =	ssyncset.done $0x0  }
0x95: {  	[sflag:s15] =	ssyncadd.s32 $0xFFFFFFFF  }
0x96: {  	s16 =	sld [smem:$0x11];
	(tm) =	ssettm $0x1  }
0x97: {  	s17 =	sld [smem:$0x3FFB];
	_ =	sdelay $0x3  }
0x98: {  	_ =	strace s17  }
0x99: {  	s3 =	sld [smem:$0x3FFC];
	_ =	sdelay $0x3  }
0x9a: {  	_ =	strace s3  }
0x9b: {  	s3 =	sld [smem:$0x3FFD];
	_ =	sdelay $0x3  }
0x9c: {  	_ =	strace s3  }
0x9d: {  	_ =	strace $0x8FFFFFFF  }
0x9e: {  	s18 =	sld [smem:$0x3FDB];
	_ =	sdelay $0x1  }
0x9f: {  	s19 =	simm.s32 $_scs_section_size  }
0xa0: {  	s5 =	simm.s32 $_size__tile_overlayer_lowered;
	s6 =	simm.s32 $_tile_overlayer_lowered  }
0xa1: {  	s22 =	simm.s32 $0x1BFF;
	s21 =	sshll.u32 s6, $0x1;
	s3 =	sadd.s32 s19, s18  }
0xa2: {  	s7 =	simm.s32 $0x0;
	s20 =	sshll.u32 s5, $0x1;
	s5 =	sadd.s32 s21, s3  }
0xa3: {  	[timem:s7], [sflag:s22] =	dma.local [hbm:s5], s20  }
0xa4: {  	_ =	swait.ge [sflag:s22], s20  }
0xa5: {  	s4 =	ssub.s32 $0x0, s20;
	[sflag:s22] =	ssyncset.done $0x0  }
0xa6: {  	[sflag:s22] =	ssyncadd.s32 s4;
	_ =	sdelay $0x1  }
0xa7: {  	s23 =	simm.s32 $0x1B8B  }
0xa8: {  	_ =	swait.ge [sflag:s23], $0x1  }
0xa9: {  	[sflag:s23] =	ssyncset.done $0x0  }
0xaa: {  	s25 =	simm.s32 $0x1B8E;
	s24 =	sld [smem:$0x3FFE];
	[sflag:s23] =	ssyncadd.s32 $0xFFFFFFFF  }
0xab: {  	s26 =	simm.s32 $execute0_lowered;
	[smem:$0x3FD2] =	sst s25  }
0xac: {  	s5 =	sshll.u32 s26, $0x1;
	_ =	strace $0x80000046;
	[dreg:$0x1] =	wrdreg $0xFFFFFFFF  }
0xad: {  	s28 =	simm.s32 $_size_execute0_lowered;
	s3 =	sadd.s32 s3, s5;
	[dreg:$0x0] =	wrdreg $0x0  }
0xae: {  	s5 =	sshll.u32 s28, $0x1;
	[dreg:$0x2] =	wrdreg s3  }
0xaf: {  	[dreg:$0x3] =	wrdreg s5  }
0xb0: {  	[dreg:$0x4] =	wrdreg $0xC0  }
0xb1: {  	_ =	task [dreg:s7], $0x5FFFF  }
0xb2: {  	[dreg:$0x1] =	wrdreg $0xFFFFFFFF  }
0xb3: {  	[dreg:$0x0] =	wrdreg $0x60  }
0xb4: {  	[dreg:$0x2] =	wrdreg s16  }
0xb5: {  	[dreg:$0x3] =	wrdreg s24  }
0xb6: {  	[dreg:$0x4] =	wrdreg $0x2B800  }
0xb7: {  	[dreg:$0x5] =	wrdreg $0x9  }
0xb8: {  	_ =	task.clear_ibuf [dreg:s7], $0x6FFFF;
	_ =	strace $0x90000046  }
0xb9: {  	s29 =	simm.s32 $0x9;
	_ =	strace $0x80000048  }
0xba: {  	_ =	swait.ge [sflag:s29], $0x1  }
0xbb: {  	[sflag:s29] =	ssyncadd.s32 $0xFFFFFFFF  }
0xbc: {  	_ =	strace $0x90000048  }
0xbd: {  	_ =	sfence  }
0xbe: {  	s30 =	sld [smem:$0x0];
	_ =	sdelay $0x2  }
0xbf: {  	s31 =	sshll.u32 s1, $0xD;
	s1 =	sshrl.u32 s1, $0x2  }
0xc0: {  	s3 =	sand.u32 $0x4000, s31;
	s1 =	sadd.s32 s1, s30  }
0xc1: {  	s0 =	sor.u32 s3, s0;
	s1 =	sshll.u32 s1, $0x11  }
0xc2: {  	s0 =	sor.u32 s1, s0  }
0xc3: {  	s0 =	sadd.s32 $0x8F2B, s0  }
0xc4: {  	[sflag:s0] =	ssyncadd.remote.s32 $0x1  }
0xc5: {  	_ =	sfence.sel $0xFFFF  }
0xc6: {  	[dreg:$0x0] =	wrdreg $0xFFFFFFFF;
	(pc) =	sbr.abs _section_cstart, $3  }
0xc7: {  	[dreg:$0x1] =	wrdreg $0xFFFFFFFF  }
0xc8: {  	_ =	task.clear_ibuf [dreg:s7], $0x2FFFF;
	_ =	strace $0x9FFFFFFF  }
0xc9: {  	(tm) =	ssettm $0x7FFFFFFF  }
tec
execute0_lowered:
.L_overlay_start_1:
0x0: {  	(tag) =	ssettag $0x1  }
0x1: {  	s5 =	rddreg [dreg:$0x0];
	s1 =	srdreg.scid  }
0x2: {  	s0 =	stileid.u32;
	s4 =	rddreg [dreg:$0x1]  }
0x3: {  	s2 =	rddreg [dreg:$0x2];
	s3 =	simm.s32 $0x0;
	s13 =	simm.s32 $0x2  }
0x4: {  	s14 =	simm.s32 $0x1;
	s15 =	simm.s32 $0x7D;
	s7 =	smul.u32 $0x280, s0  }
0x5: {  	s16 =	simm.s32 $0x2800;
	s6 =	sand.u32 $0x1, s1;
	s10 =	smul.u32 $0x2800, s0  }
0x6: {  	s17 =	simm.s32 $0x2900;
	s1 =	rddreg [dreg:$0x3];
	s8 =	smul.u32 $0x2800, s6  }
0x7: {  	s18 =	simm.s32 $0x0;
	[smem:$0x7FF] =	sst s3;
	s9 =	smul.u32 $0x28000, s6  }
0x8: {  	_ =	strace $0x80000047;
	s6 =	ssub.s32 $0x2, s6;
	s8 =	sadd.s32 s7, s8  }
0x9: {  	s31 =	sshrl.u32 s6, $0x1;
	s30 =	sadd.s32 s10, s9;
	s8 =	sshrl.u32 s8, $0x3  }
0xa: {  	s9 =	sshrl.u32 s30, $0x3;
	s11 =	sadd.s32 s8, s4;
	s4 =	sadd.s32 s7, s2  }
0xb: {  	s12 =	ssub.s32 s6, s31;
	s5 =	sadd.s32 s5, s9;
	s6 =	sadd.s32 $0x80, s4  }
0xc: {  	s7 =	sadd.s32 $0x100, s4;
	s8 =	sadd.s32 $0x180, s4;
	s9 =	sadd.s32 $0x200, s4  }
0xd: {  	v0 =	vimm.f32 $1.000000000e+00;
	v1 =	vimm.f32 $0.0e+00;
	s10 =	sadd.s32 $0x1A00, s11;
	s11 =	smax.u32 s12, $0x1;
	s12 =	simm.s32 $0x2880  }
.LBB2_1:
0xe: {  	[tilespmem:$0x2800] =	vst v0  }
0xf: {  	[tilespmem:$0x2880] =	vst v1  }
0x10: {  	[tilespmem:$0x2810] =	vst v0  }
0x11: {  	[tilespmem:$0x2890] =	vst v1  }
0x12: {  	[tilespmem:$0x2820] =	vst v0  }
0x13: {  	[tilespmem:$0x28A0] =	vst v1  }
0x14: {  	[tilespmem:$0x2830] =	vst v0  }
0x15: {  	[tilespmem:$0x28B0] =	vst v1  }
0x16: {  	[tilespmem:$0x2840] =	vst v0  }
0x17: {  	[tilespmem:$0x28C0] =	vst v1  }
0x18: {  	[tilespmem:$0x2850] =	vst v0  }
0x19: {  	[tilespmem:$0x28D0] =	vst v1  }
0x1a: {  	[tilespmem:$0x2860] =	vst v0  }
0x1b: {  	[tilespmem:$0x28E0] =	vst v1  }
0x1c: {  	[tilespmem:$0x2870] =	vst v0  }
0x1d: {  	[tilespmem:$0x28F0] =	vst v1  }
0x1e: {  	[tilespmem:s3], [sflag:$0x1] =	stream.linear.gather [hbm4b:s5+s3], $0x2800, $0x38;
	[tilespmem:$0x2E00] =	vst v63  }
0x1f: {  	_ = 	snop  }
0x20: {  	[spmem:s4] =	stream.linear.scatter [tilespmem:s12], [sflag:$0x2], $0x80, $0x38;
	[tilespmem:$0x2E00] =	vst v63  }
0x21: {  	_ =	swait.ge [sflag:s13], $0x80  }
0x22: {  	[sflag:s13] =	ssyncset.done $0x0  }
0x23: {  	[sflag:s13] =	ssyncadd.s32 $0xFFFFFF80  }
0x24: {  	[spmem:s6] =	stream.linear.scatter [tilespmem:s12], [sflag:$0x2], $0x80, $0x38;
	[tilespmem:$0x2E00] =	vst v63  }
0x25: {  	_ =	swait.ge [sflag:s13], $0x80  }
0x26: {  	[sflag:s13] =	ssyncset.done $0x0  }
0x27: {  	[sflag:s13] =	ssyncadd.s32 $0xFFFFFF80  }
0x28: {  	[spmem:s7] =	stream.linear.scatter [tilespmem:s12], [sflag:$0x2], $0x80, $0x38;
	[tilespmem:$0x2E00] =	vst v63  }
0x29: {  	_ =	swait.ge [sflag:s13], $0x80  }
0x2a: {  	[sflag:s13] =	ssyncset.done $0x0  }
0x2b: {  	[sflag:s13] =	ssyncadd.s32 $0xFFFFFF80  }
0x2c: {  	[spmem:s8] =	stream.linear.scatter [tilespmem:s12], [sflag:$0x2], $0x80, $0x38;
	[tilespmem:$0x2E00] =	vst v63  }
0x2d: {  	_ =	swait.ge [sflag:s13], $0x80  }
0x2e: {  	[sflag:s13] =	ssyncset.done $0x0  }
0x2f: {  	[sflag:s13] =	ssyncadd.s32 $0xFFFFFF80  }
0x30: {  	[spmem:s9] =	stream.linear.scatter [tilespmem:s12], [sflag:$0x2], $0x80, $0x38;
	[tilespmem:$0x2E00] =	vst v63  }
0x31: {  	_ =	swait.ge [sflag:s13], $0x80  }
0x32: {  	[sflag:s13] =	ssyncset.done $0x0  }
0x33: {  	[sflag:s13] =	ssyncadd.s32 $0xFFFFFF80  }
0x34: {  	[bflag:$0x0] =	sbarrier.arrive $0xFFFF  }
0x35: {  	_ =	swait.ge [sflag:s14], $0x2800  }
0x36: {  	[sflag:s14] =	ssyncset.done $0x0  }
0x37: {  	s19 =	simm.s32 $0x0;
	[sflag:s14] =	ssyncadd.s32 $0xFFFFD800  }
.LBB2_2:
0x38: {  	p0 =	sne.s32 s19, $0x9E00  }
.Ltmp0:
0x39: {  	_ = 	snop;
	(pc) =	sbr.rel @p0 .LBB2_2-.Ltmp0, $3  }
0x3a: {  	_ =	sdelay $0x1  }
0x3b: {  	s20 =	sshra.s32 s19, $0x2;
	s19 =	sadd.s32 $0x200, s19  }
0x3c: {  	[spmem:s2] =	stream.indirect.scatter.add.f32 [tilespmem:s16], [sflag:$0x1], $0x1, s20, s15, $0xb8;
	[tilespmem:$0x2E00] =	vst v63  }
0x3d: {  	_ =	swait.ge [sflag:s14], $0x7D  }
0x3e: {  	s19 =	simm.s32 $0x4F;
	[sflag:s14] =	ssyncset.done $0x0  }
.LBB2_4:
0x3f: {  	p0 =	sne.s32 s19, $0x1;
	s19 =	sadd.s32 $0xFFFFFFFF, s19;
	[sflag:s14] =	ssyncadd.s32 $0xFFFFFF83  }
.Ltmp1:
0x40: {  	(pc) =	sbr.rel @p0 .LBB2_4-.Ltmp1, $3  }
0x41: {  	_ =	sdelay $0x1  }
0x42: {  	_ =	swait.ge [sflag:s14], $0x7D  }
0x43: {  	[sflag:s14] =	ssyncset.done $0x0  }
0x44: {  	[sflag:s14] =	ssyncadd.s32 $0xFFFFFF83  }
0x45: {  	[bflag:$0x0] =	sbarrier.arrive $0xFFFF  }
0x46: {  	[tilespmem:s17], [sflag:$0x2] =	stream.linear.gather [spmem:s4], $0x280, $0x38;
	[tilespmem:$0x2E00] =	vst v63  }
0x47: {  	s18 =	sadd.s32 $0x1, s18;
	_ =	swait.ge [sflag:s13], $0x280  }
0x48: {  	p0 =	sne.s32 s18, s11;
	[sflag:s13] =	ssyncset.done $0x0  }
.Ltmp2:
0x49: {  	[sflag:s13] =	ssyncadd.s32 $0xFFFFFD80;
	(pc) =	sbr.rel @p0 .LBB2_1-.Ltmp2, $4  }
0x4a: {  	[hbm4b:s10+s3] =	stream.linear.scatter [tilespmem:s17], [sflag:$0x2], $0x280, $0x38;
	[tilespmem:$0x2E00] =	vst v63  }
0x4b: {  	_ =	swait.ge [sflag:s13], $0x280  }
0x4c: {  	[sflag:s13] =	ssyncset.done $0x0  }
0x4d: {  	[sflag:s13] =	ssyncadd.s32 $0xFFFFFD80  }
0x4e: {  	_ =	sfence.sel $0x180000  }
0x4f: {  	[bflag:$0x0] =	sbarrier.arrive $0xFFFF  }
0x50: {  	p0 =	sne.s32 s0, $0x0;
	_ =	strace $0x90000047  }
0x51: {  	s0 =	sadd.s32 @!p0 $0x100000, s1;
	[bflag:$0x2] =	sbarrier.arrive $0xFFFF  }
0x52: {  	[sflag:s0] =	ssyncadd.tile.s32 @!p0 $0x1;
	_ =	shalt  }
.Lfunc_end2:
_tile_overlayer_lowered:
.L_overlay_start_2:
0x53: {  	(tag) =	ssettag $0x2  }
0x54: {  	s0 =	rddreg [dreg:$0x0];
	s2 =	stileid.u32  }
0x55: {  	s1 =	rddreg [dreg:$0x1];
	p0 =	sne.s32 s2, $0x0  }
0x56: {  	s3 =	rddreg [dreg:$0x2];
	[bflag:$0x3] =	sbarrier.arrive $0xFFFF;
	s2 =	simm.s32 @!p0 $0x1C02  }
0x57: {  	[timem:s3], [sflag:s2] =	dma.local @!p0 [hbm:s0], s1  }
0x58: {  	s0 =	simm.s32 @!p0 $0x2  }
0x59: {  	_ =	swait.ge @!p0 [sflag:s0], s1  }
0x5a: {  	s1 =	ssub.s32 @!p0 $0x0, s1;
	[sflag:s0] =	ssyncset.done @!p0 $0x0  }
0x5b: {  	[sflag:s0] =	ssyncadd.s32 @!p0 s1  }
0x5c: {  	[bflag:$0x3] =	sbarrier.arrive $0xFFFF  }
0x5d: {  	_ =	shalt  }

// kernel: kernel.9.cloned.1.call-start
scs
__scs_entry_jumppad:
0x0: {  	(pc) =	sbr.rel $0x88, $3  }
0x1: {  	(tag) =	ssettag $0x0;
	lr =	simm.s32 $0x1  }
0x2: {  	[smem:$0x3F9A] =	sst lr;
	_ =	strace $0xD0000000  }
0x3: {  	_ = 	snop  }
0x4: {  	_ = 	snop  }
0x5: {  	_ = 	snop  }
0x6: {  	_ = 	snop  }
0x7: {  	_ = 	snop  }
__scs_overlays_trampoline_lowered:
0x8: {  	[smem:$0x3FA9] =	sst s0  }
0x9: {  	[smem:$0x3FAA] =	sst s1  }
0xa: {  	[smem:$0x3FAB] =	sst s2  }
0xb: {  	[smem:$0x3FAC] =	sst s3  }
0xc: {  	[smem:$0x3FAD] =	sst s4  }
0xd: {  	[smem:$0x3FAE] =	sst s5  }
0xe: {  	[smem:$0x3FAF] =	sst s6  }
0xf: {  	[smem:$0x3FB0] =	sst s7  }
0x10: {  	[smem:$0x3FB1] =	sst s8  }
0x11: {  	[smem:$0x3FB2] =	sst s9;
	s0 =	simm.s32 @!p0 $0x0  }
0x12: {  	s1 =	sld [smem:$0x3F98];
	s0 =	simm.s32 @p0 $0x1  }
0x13: {  	[smem:$0x3FB3] =	sst s0;
	s0 =	simm.s32 @!p1 $0x0  }
0x14: {  	s2 =	sld [smem:$0x3F97];
	s0 =	simm.s32 @p1 $0x1  }
0x15: {  	[smem:$0x3FB4] =	sst s0;
	s0 =	simm.s32 @!p2 $0x0  }
0x16: {  	s3 =	sld [smem:$0x3FDB];
	s0 =	simm.s32 @p2 $0x1  }
0x17: {  	s4 =	simm.s32 $0x1BF5;
	[smem:$0x3FB6] =	sst s0  }
0x18: {  	s0 =	sld [smem:$0x3F99];
	_ =	swait.ge [sflag:s4], $0x0  }
0x19: {  	s7 =	sld [smem:$0x3F9A]  }
0x1a: {  	s8 =	sadd.s32 $0xFFFFE003, lr  }
0x1b: {  	s9 =	sadd.s32 $0xFFFFFEF7, lr;
	s5 =	simm.s32 $0xFFFFFFFF;
	p2 =	slt.u32 s8, $0xFFFFF086  }
0x1c: {  	p1 =	slt.u32 s9, $0xF7A;
	s5 =	simm.s32 @!p2 $0x0  }
0x1d: {  	s5 =	simm.s32 @p1 $0x1;
	p0 =	seq.s32 s7, s2  }
0x1e: {  	s7 =	smul.u32 @!p0 $0xF7A, s2;
	p2 =	seq.s32 @!p0 s5, $0x0  }
0x1f: {  	s9 =	smul.u32 $0xF7A, s1;
	s8 =	simm.s32 @!p0 $0x1BF5;
	p2 =	por !p2, p0  }
0x20: {  	[sflag:s8] =	ssyncset.s32 @!p0 $0xFFFFF086;
	s6 =	sadd.s32 @!p0 s3, s7;
	s7 =	simm.s32 @!p0 $0x108  }
0x21: {  	s3 =	sadd.s32 s3, s9;
	s6 =	sadd.s32 @!p0 $0x88, s6;
	s7 =	simm.s32 @p2 $0x1082  }
0x22: {  	[simem:s7], [sflag:s8] =	dma.local @!p0 [hbm:s6], $0xF7A  }
0x23: {  	s9 =	sor.u32 $0xD0000000, s2;
	s6 =	simm.s32 $0x108;
	_ =	swait.ge @!p0 [sflag:s8], $0x0  }
0x24: {  	s3 =	sadd.s32 $0x88, s3;
	s6 =	simm.s32 @!p1 $0x1082;
	[sflag:s4] =	ssyncset.s32 $0xFFFFF086  }
0x25: {  	[simem:s6], [sflag:s4] =	dma.local [hbm:s3], $0xF7A  }
0x26: {  	[smem:$0x3F9A] =	sst s1;
	(tag) =	ssettag s2;
	_ =	strace s9  }
0x27: {  	s1 =	sld [smem:$0x3FAA]  }
0x28: {  	s2 =	sld [smem:$0x3FAB]  }
0x29: {  	s4 =	sld [smem:$0x3FAD]  }
0x2a: {  	p0 =	seq.s32 s5, $0x0;
	s5 =	sld [smem:$0x3FAE]  }
0x2b: {  	s6 =	sld [smem:$0x3FAF]  }
0x2c: {  	s7 =	sld [smem:$0x3FB0]  }
0x2d: {  	s3 =	simm.s32 $0x108;
	s8 =	sld [smem:$0x3FB1]  }
0x2e: {  	s3 =	simm.s32 @!p0 $0x1082;
	s9 =	sld [smem:$0x3FB2]  }
0x2f: {  	lr =	sadd.s32 s0, s3;
	s0 =	sld [smem:$0x3FA9]  }
0x30: {  	s3 =	sld [smem:$0x3FAC]  }
0x31: {  	[smem:$0x3FB5] =	sst s10  }
0x32: {  	s10 =	sld [smem:$0x3FB3];
	_ =	sdelay $0x3  }
0x33: {  	p0 =	seq.s32 s10, $0x1;
	s10 =	sld [smem:$0x3FB5];
	_ =	sdelay $0x3  }
0x34: {  	[smem:$0x3FB5] =	sst s10  }
0x35: {  	s10 =	sld [smem:$0x3FB4];
	_ =	sdelay $0x3  }
0x36: {  	p1 =	seq.s32 s10, $0x1;
	s10 =	sld [smem:$0x3FB5];
	_ =	sdelay $0x3  }
0x37: {  	[smem:$0x3FB5] =	sst s10  }
0x38: {  	s10 =	sld [smem:$0x3FB6]  }
0x39: {  	_ = 	snop;
	(pc) =	sbr.ind lr, $3  }
0x3a: {  	_ = 	snop  }
0x3b: {  	_ = 	snop  }
0x3c: {  	p2 =	seq.s32 s10, $0x1;
	s10 =	sld [smem:$0x3FB5]  }
0x3d: {  	_ =	shalt  }
0x3e: {  	_ =	shalt  }
0x3f: {  	_ =	shalt  }
0x40: {  	_ =	shalt  }
0x41: {  	_ =	shalt  }
0x42: {  	_ =	shalt  }
0x43: {  	_ =	shalt  }
0x44: {  	_ =	shalt  }
0x45: {  	_ =	shalt  }
0x46: {  	_ =	shalt  }
0x47: {  	_ =	shalt  }
0x48: {  	_ =	shalt  }
0x49: {  	_ =	shalt  }
0x4a: {  	_ =	shalt  }
0x4b: {  	_ =	shalt  }
0x4c: {  	_ =	shalt  }
0x4d: {  	_ =	shalt  }
0x4e: {  	_ =	shalt  }
0x4f: {  	_ =	shalt  }
0x50: {  	_ =	shalt  }
0x51: {  	_ =	shalt  }
0x52: {  	_ =	shalt  }
0x53: {  	_ =	shalt  }
0x54: {  	_ =	shalt  }
0x55: {  	_ =	shalt  }
0x56: {  	_ =	shalt  }
0x57: {  	_ =	shalt  }
0x58: {  	_ =	shalt  }
0x59: {  	_ =	shalt  }
0x5a: {  	_ =	shalt  }
0x5b: {  	_ =	shalt  }
0x5c: {  	_ =	shalt  }
0x5d: {  	_ =	shalt  }
0x5e: {  	_ =	shalt  }
0x5f: {  	_ =	shalt  }
0x60: {  	_ =	shalt  }
0x61: {  	_ =	shalt  }
0x62: {  	_ =	shalt  }
0x63: {  	_ =	shalt  }
0x64: {  	_ =	shalt  }
0x65: {  	_ =	shalt  }
0x66: {  	_ =	shalt  }
0x67: {  	_ =	shalt  }
0x68: {  	_ =	shalt  }
0x69: {  	_ =	shalt  }
0x6a: {  	_ =	shalt  }
0x6b: {  	_ =	shalt  }
0x6c: {  	_ =	shalt  }
0x6d: {  	_ =	shalt  }
0x6e: {  	_ =	shalt  }
0x6f: {  	_ =	shalt  }
0x70: {  	_ =	shalt  }
0x71: {  	_ =	shalt  }
0x72: {  	_ =	shalt  }
0x73: {  	_ =	shalt  }
0x74: {  	_ =	shalt  }
0x75: {  	_ =	shalt  }
0x76: {  	_ =	shalt  }
0x77: {  	_ =	shalt  }
0x78: {  	_ =	shalt  }
0x79: {  	_ =	shalt  }
0x7a: {  	_ =	shalt  }
0x7b: {  	_ =	shalt  }
0x7c: {  	_ =	shalt  }
0x7d: {  	_ =	shalt  }
0x7e: {  	_ =	shalt  }
0x7f: {  	_ =	shalt  }
0x80: {  	_ =	shalt  }
0x81: {  	_ =	shalt  }
0x82: {  	_ =	shalt  }
0x83: {  	_ =	shalt  }
0x84: {  	_ =	shalt  }
0x85: {  	_ =	shalt  }
0x86: {  	_ =	shalt  }
0x87: {  	_ =	shalt  }
.Lfunc_end0:
.L_simem_size_0:
called_computation.1_lowered:
.L_overlay_start_0:
0x88: {  	s2 =	sld [smem:$0x3FD9]  }
0x89: {  	s3 =	sld [smem:$0x3FFE];
	_ =	sdelay $0x1  }
0x8a: {  	s1 =	srdreg.scid  }
0x8b: {  	s0 =	sand.u32 $0x1, s1  }
0x8c: {  	s14 =	sshll.u32 s0, $0xA;
	s2 =	sadd.s32 s3, s2  }
0x8d: {  	s2 =	sadd.s32 s2, s14  }
0x8e: {  	[smem:$0x3FC1] =	sst s2  }
0x8f: {  	_ = 	snop  }
0x90: {  	s2 =	sld [smem:$0x3FD0];
	_ =	sdelay $0x2  }
0x91: {  	s15 =	simm.s32 $0xA;
	s4 =	simm.s32 $0x10  }
0x92: {  	[smem:s4], [sflag:s15] =	dma.local [hbm:s2], $0x1  }
0x93: {  	_ =	swait.eq [sflag:s15], $0x1  }
0x94: {  	[sflag:s15] =	ssyncset.done $0x0  }
0x95: {  	[sflag:s15] =	ssyncadd.s32 $0xFFFFFFFF  }
0x96: {  	s16 =	sld [smem:$0x10];
	(tm) =	ssettm $0x1  }
0x97: {  	s17 =	sld [smem:$0x3FFB];
	_ =	sdelay $0x3  }
0x98: {  	_ =	strace s17  }
0x99: {  	s3 =	sld [smem:$0x3FFC];
	_ =	sdelay $0x3  }
0x9a: {  	_ =	strace s3  }
0x9b: {  	s3 =	sld [smem:$0x3FFD];
	_ =	sdelay $0x3  }
0x9c: {  	_ =	strace s3  }
0x9d: {  	_ =	strace $0x8FFFFFFF  }
0x9e: {  	s18 =	sld [smem:$0x3FDB];
	_ =	sdelay $0x1  }
0x9f: {  	s19 =	simm.s32 $_scs_section_size  }
0xa0: {  	s5 =	simm.s32 $_size__tile_overlayer_lowered;
	s6 =	simm.s32 $_tile_overlayer_lowered  }
0xa1: {  	s22 =	simm.s32 $0x1BFF;
	s21 =	sshll.u32 s6, $0x1;
	s3 =	sadd.s32 s19, s18  }
0xa2: {  	s7 =	simm.s32 $0x0;
	s20 =	sshll.u32 s5, $0x1;
	s5 =	sadd.s32 s21, s3  }
0xa3: {  	[timem:s7], [sflag:s22] =	dma.local [hbm:s5], s20  }
0xa4: {  	_ =	swait.ge [sflag:s22], s20  }
0xa5: {  	s4 =	ssub.s32 $0x0, s20;
	[sflag:s22] =	ssyncset.done $0x0  }
0xa6: {  	[sflag:s22] =	ssyncadd.s32 s4;
	_ =	sdelay $0x1  }
0xa7: {  	s23 =	simm.s32 $0x1B8B  }
0xa8: {  	_ =	swait.ge [sflag:s23], $0x1  }
0xa9: {  	[sflag:s23] =	ssyncset.done $0x0  }
0xaa: {  	s25 =	simm.s32 $0x1B8E;
	s24 =	sld [smem:$0x3FFE];
	[sflag:s23] =	ssyncadd.s32 $0xFFFFFFFF  }
0xab: {  	s26 =	simm.s32 $execute0_lowered;
	[smem:$0x3FD2] =	sst s25  }
0xac: {  	s5 =	sshll.u32 s26, $0x1;
	_ =	strace $0x80000049;
	[dreg:$0x1] =	wrdreg $0xFFFFFFFF  }
0xad: {  	s28 =	simm.s32 $_size_execute0_lowered;
	s3 =	sadd.s32 s3, s5;
	[dreg:$0x0] =	wrdreg $0x0  }
0xae: {  	s5 =	sshll.u32 s28, $0x1;
	[dreg:$0x2] =	wrdreg s3  }
0xaf: {  	[dreg:$0x3] =	wrdreg s5  }
0xb0: {  	[dreg:$0x4] =	wrdreg $0xC0  }
0xb1: {  	_ =	task [dreg:s7], $0x5FFFF  }
0xb2: {  	[dreg:$0x1] =	wrdreg $0xFFFFFFFF  }
0xb3: {  	[dreg:$0x0] =	wrdreg $0x60  }
0xb4: {  	[dreg:$0x2] =	wrdreg s24  }
0xb5: {  	[dreg:$0x3] =	wrdreg s16  }
0xb6: {  	[dreg:$0x4] =	wrdreg $0xA9800  }
0xb7: {  	[dreg:$0x5] =	wrdreg $0x9  }
0xb8: {  	_ =	task.clear_ibuf [dreg:s7], $0x6FFFF;
	_ =	strace $0x90000049  }
0xb9: {  	s29 =	simm.s32 $0x9;
	_ =	strace $0x8000004B  }
0xba: {  	_ =	swait.ge [sflag:s29], $0x1  }
0xbb: {  	[sflag:s29] =	ssyncadd.s32 $0xFFFFFFFF  }
0xbc: {  	_ =	strace $0x9000004B  }
0xbd: {  	_ =	sfence  }
0xbe: {  	s30 =	sld [smem:$0x0];
	_ =	sdelay $0x2  }
0xbf: {  	s31 =	sshll.u32 s1, $0xD;
	s1 =	sshrl.u32 s1, $0x2  }
0xc0: {  	s3 =	sand.u32 $0x4000, s31;
	s1 =	sadd.s32 s1, s30  }
0xc1: {  	s0 =	sor.u32 s3, s0;
	s1 =	sshll.u32 s1, $0x11  }
0xc2: {  	s0 =	sor.u32 s1, s0  }
0xc3: {  	s0 =	sadd.s32 $0x8F2B, s0  }
0xc4: {  	[sflag:s0] =	ssyncadd.remote.s32 $0x1  }
0xc5: {  	_ =	sfence.sel $0xFFFF  }
0xc6: {  	[dreg:$0x0] =	wrdreg $0xFFFFFFFF;
	(pc) =	sbr.abs _section_cstart, $3  }
0xc7: {  	[dreg:$0x1] =	wrdreg $0xFFFFFFFF  }
0xc8: {  	_ =	task.clear_ibuf [dreg:s7], $0x2FFFF;
	_ =	strace $0x9FFFFFFF  }
0xc9: {  	(tm) =	ssettm $0x7FFFFFFF  }
tec
execute0_lowered:
.L_overlay_start_1:
0x0: {  	(tag) =	ssettag $0x1  }
0x1: {  	s3 =	srdreg.scid;
	s19 =	stileid.u32  }
0x2: {  	s3 =	sand.u32 $0x1, s3;
	s20 =	smul.u32 $0xA00, s19  }
0x3: {  	s6 =	smul.u32 $0xA000, s19;
	s9 =	sor.u32 $0x10, s19;
	s10 =	sor.u32 $0x20, s19  }
0x4: {  	s12 =	sor.u32 $0x30, s19;
	s23 =	sor.u32 $0x40, s19;
	s14 =	sor.u32 $0x50, s19  }
0x5: {  	s16 =	sor.u32 $0x60, s19;
	s18 =	sor.u32 $0x70, s19;
	s19 =	smul.u32 $0x500, s19  }
0x6: {  	s4 =	smul.u32 $0x27100, s3  }
0x7: {  	s7 =	smul.u32 $0xA000, s9  }
0x8: {  	s0 =	rddreg [dreg:$0x0];
	s11 =	smul.u32 $0xA000, s10  }
0x9: {  	s2 =	rddreg [dreg:$0x1];
	s5 =	simm.s32 $0x0;
	s22 =	smul.u32 $0xA000, s12  }
0xa: {  	[smem:$0x7FF] =	sst s5;
	s13 =	smul.u32 $0xA000, s23  }
0xb: {  	s1 =	rddreg [dreg:$0x2];
	_ =	strace $0x8000004A;
	s15 =	smul.u32 $0xA000, s14  }
0xc: {  	s3 =	ssub.s32 $0x2, s3;
	s17 =	smul.u32 $0xA000, s16;
	p0 =	sgt.u32 s18, $0x7D  }
0xd: {  	p1 =	sgt.u32 s18, $0x7C;
	s21 =	sshrl.u32 s3, $0x1;
	s8 =	sadd.s32 s2, s20  }
0xe: {  	s6 =	sshrl.u32 s6, $0x2;
	s20 =	smul.u32 $0x500, s10;
	s0 =	sadd.s32 s4, s0  }
0xf: {  	s24 =	sshrl.u32 s7, $0x2;
	s7 =	sadd.s32 s6, s1;
	s6 =	smul.u32 $0x500, s9  }
0x10: {  	s3 =	ssub.s32 s3, s21;
	[dreg:$0x5] =	wrdreg s8;
	s4 =	smul.u32 $0x500, s23  }
0x11: {  	s8 =	sadd.s32 $0x500, s8;
	s2 =	sshrl.u32 s22, $0x2;
	s21 =	smul.u32 $0x500, s14  }
0x12: {  	s26 =	sshrl.u32 s13, $0x2;
	s28 =	sshrl.u32 s15, $0x2;
	s14 =	smul.u32 $0x500, s16  }
0x13: {  	s5 =	sadd.s32 $0x1A00, s0;
	[dreg:$0x4] =	wrdreg s8;
	s3 =	smax.u32 s3, $0x1  }
0x14: {  	s0 =	sadd.s32 $0x4FC00, s0;
	s22 =	sadd.s32 s26, s1;
	[dreg:$0x6] =	wrdreg s3  }
0x15: {  	s8 =	sadd.s32 s24, s1;
	s23 =	sadd.s32 s28, s1;
	[dreg:$0x7] =	wrdreg s22  }
0x16: {  	s10 =	sadd.s32 s2, s1;
	s6 =	sadd.s32 s6, s0;
	[dreg:$0x8] =	wrdreg s23  }
0x17: {  	s2 =	smul.u32 $0x500, s12;
	s26 =	sadd.s32 s21, s0;
	[dreg:$0xc] =	wrdreg s6  }
0x18: {  	s12 =	sshrl.u32 s17, $0x2;
	s28 =	sadd.s32 s14, s0;
	[dreg:$0x10] =	wrdreg s26  }
0x19: {  	s3 =	smul.u32 $0xA000, s18;
	s24 =	sadd.s32 s12, s1;
	[dreg:$0x11] =	wrdreg s28  }
0x1a: {  	s25 =	sshrl.u32 s11, $0x2;
	s2 =	sadd.s32 s2, s0;
	[dreg:$0x9] =	wrdreg s24  }
0x1b: {  	s9 =	sadd.s32 s25, s1;
	s3 =	sshrl.u32 s3, $0x2;
	[dreg:$0xe] =	wrdreg s2  }
0x1c: {  	s25 =	sadd.s32 s3, s1;
	s3 =	smul.u32 $0x500, s18;
	s18 =	sadd.s32 s19, s0  }
0x1d: {  	s19 =	sadd.s32 s20, s0;
	[dreg:$0xb] =	wrdreg s18  }
0x1e: {  	s29 =	simm.s32 $0x1;
	s20 =	sadd.s32 s4, s0;
	[dreg:$0xd] =	wrdreg s19  }
0x1f: {  	s30 =	simm.s32 $0x2900;
	s31 =	simm.s32 $0x0;
	[dreg:$0xf] =	wrdreg s20  }
0x20: {  	s15 =	simm.s32 $0x2980;
	[dreg:$0xa] =	wrdreg s25;
	s0 =	sadd.s32 @!p1 s3, s0  }
0x21: {  	v0 =	vimm.f32 $0.0e+00;
	s16 =	simm.s32 $0x3;
	s26 =	simm.s32 $0x80;
	[dreg:$0x12] =	wrdreg s0  }
.LBB2_1:
0x22: {  	s0 =	simm.s32 $0x0;
	s2 =	simm.s32 $0x200  }
.LBB2_2:
0x23: {  	p2 =	sne.s32 s2, $0x9E00;
	[tilespmem:s0+$0x29F0] =	vst v0  }
0x24: {  	[tilespmem:s0+$0x2980] =	vst v0  }
0x25: {  	[tilespmem:s0+$0x2990] =	vst v0  }
.Ltmp0:
0x26: {  	[tilespmem:s0+$0x29A0] =	vst v0;
	(pc) =	sbr.rel @p2 .LBB2_2-.Ltmp0, $4  }
0x27: {  	[tilespmem:s0+$0x29B0] =	vst v0  }
0x28: {  	[tilespmem:s0+$0x29C0] =	vst v0  }
0x29: {  	[tilespmem:s0+$0x29D0] =	vst v0  }
0x2a: {  	[tilespmem:s0+$0x29E0] =	vst v0;
	s0 =	sshra.s32 s2, $0x2;
	s2 =	sadd.s32 $0x200, s2  }
0x2b: {  	[tilespmem:s0+$0x29F0] =	vst v0  }
0x2c: {  	[tilespmem:s0+$0x2980] =	vst v0  }
0x2d: {  	[tilespmem:s0+$0x2990] =	vst v0  }
0x2e: {  	[tilespmem:s0+$0x29A0] =	vst v0  }
0x2f: {  	[tilespmem:s0+$0x29B0] =	vst v0  }
0x30: {  	[tilespmem:s0+$0x29C0] =	vst v0  }
0x31: {  	[tilespmem:s0+$0x29D0] =	vst v0  }
0x32: {  	[tilespmem:s0+$0x29E0] =	vst v0;
	s21 =	simm.s32 $0x0;
	s2 =	rddreg [dreg:$0x5]  }
0x33: {  	[tilespmem:s21], [sflag:$0x2] =	stream.linear.gather [hbm4b:s2+s21], $0x2800, $0x38;
	[tilespmem:$0x1E480] =	vst v63  }
0x34: {  	_ = 	snop  }
0x35: {  	[spmem:s7] =	stream.linear.scatter [tilespmem:s15], [sflag:$0x3], $0x2800, $0x38;
	[tilespmem:$0x1E480] =	vst v63  }
0x36: {  	_ =	swait.ge [sflag:s16], $0x2800  }
0x37: {  	[sflag:s16] =	ssyncset.done $0x0  }
0x38: {  	[sflag:s16] =	ssyncadd.s32 $0xFFFFD800  }
0x39: {  	[spmem:s8] =	stream.linear.scatter [tilespmem:s15], [sflag:$0x3], $0x2800, $0x38;
	[tilespmem:$0x1E480] =	vst v63  }
0x3a: {  	_ =	swait.ge [sflag:s16], $0x2800  }
0x3b: {  	[sflag:s16] =	ssyncset.done $0x0  }
0x3c: {  	[sflag:s16] =	ssyncadd.s32 $0xFFFFD800  }
0x3d: {  	[spmem:s9] =	stream.linear.scatter [tilespmem:s15], [sflag:$0x3], $0x2800, $0x38;
	[tilespmem:$0x1E480] =	vst v63  }
0x3e: {  	_ =	swait.ge [sflag:s16], $0x2800  }
0x3f: {  	[sflag:s16] =	ssyncset.done $0x0  }
0x40: {  	[sflag:s16] =	ssyncadd.s32 $0xFFFFD800  }
0x41: {  	[spmem:s10] =	stream.linear.scatter [tilespmem:s15], [sflag:$0x3], $0x2800, $0x38;
	[tilespmem:$0x1E480] =	vst v63  }
0x42: {  	_ =	swait.ge [sflag:s16], $0x2800  }
0x43: {  	[sflag:s16] =	ssyncset.done $0x0  }
0x44: {  	[sflag:s16] =	ssyncadd.s32 $0xFFFFD800  }
0x45: {  	[spmem:s22] =	stream.linear.scatter [tilespmem:s15], [sflag:$0x3], $0x2800, $0x38;
	[tilespmem:$0x1E480] =	vst v63  }
0x46: {  	_ =	swait.ge [sflag:s16], $0x2800  }
0x47: {  	[sflag:s16] =	ssyncset.done $0x0  }
0x48: {  	[sflag:s16] =	ssyncadd.s32 $0xFFFFD800  }
0x49: {  	[spmem:s23] =	stream.linear.scatter [tilespmem:s15], [sflag:$0x3], $0x2800, $0x38;
	[tilespmem:$0x1E480] =	vst v63  }
0x4a: {  	_ =	swait.ge [sflag:s16], $0x2800  }
0x4b: {  	[sflag:s16] =	ssyncset.done $0x0  }
0x4c: {  	[sflag:s16] =	ssyncadd.s32 $0xFFFFD800  }
0x4d: {  	[spmem:s24] =	stream.linear.scatter [tilespmem:s15], [sflag:$0x3], $0x2800, $0x38;
	[tilespmem:$0x1E480] =	vst v63  }
0x4e: {  	_ =	swait.ge [sflag:s16], $0x2800  }
0x4f: {  	[sflag:s16] =	ssyncset.done $0x0  }
0x50: {  	s0 =	simm.s32 @!p0 $0x2980;
	[sflag:s16] =	ssyncadd.s32 $0xFFFFD800  }
0x51: {  	[spmem:s25] =	stream.linear.scatter @!p0 [tilespmem:s0], [sflag:$0x3], $0x2800, $0x38;
	[tilespmem:$0x1E480] =	vst v63  }
0x52: {  	s0 =	simm.s32 @!p0 $0x3  }
0x53: {  	_ =	swait.ge @!p0 [sflag:s0], $0x2800  }
0x54: {  	[sflag:s0] =	ssyncset.done @!p0 $0x0  }
0x55: {  	s24 =	simm.s32 $0x2;
	[sflag:s0] =	ssyncadd.s32 @!p0 $0xFFFFD800  }
0x56: {  	_ =	swait.ge [sflag:s24], $0x2800  }
0x57: {  	[sflag:s24] =	ssyncset.done $0x0  }
0x58: {  	[sflag:s24] =	ssyncadd.s32 $0xFFFFD800  }
0x59: {  	[bflag:$0x0] =	sbarrier.arrive $0xFFFF  }
0x5a: {  	v1 =	vld [tilespmem:$0x0]  }
0x5b: {  	v2 =	vld [tilespmem:$0x10]  }
0x5c: {  	v3 =	vld [tilespmem:$0x20]  }
0x5d: {  	v4 =	vld [tilespmem:$0x30]  }
0x5e: {  	v5 =	vld [tilespmem:$0x40]  }
0x5f: {  	v6 =	vld [tilespmem:$0x50];
	v1 =	vand.u32 $0xFFFF, v1  }
0x60: {  	[tilespmem:$0x2800] =	vst v1;
	v1 =	vand.u32 $0xFFFF, v2;
	v2 =	vld [tilespmem:$0x60]  }
0x61: {  	[tilespmem:$0x2810] =	vst v1;
	v1 =	vand.u32 $0xFFFF, v3;
	v3 =	vld [tilespmem:$0x70]  }
0x62: {  	[tilespmem:$0x2820] =	vst v1;
	v1 =	vand.u32 $0xFFFF, v4  }
0x63: {  	[tilespmem:$0x2830] =	vst v1;
	v1 =	vand.u32 $0xFFFF, v5  }
0x64: {  	[tilespmem:$0x2840] =	vst v1;
	v1 =	vand.u32 $0xFFFF, v6  }
0x65: {  	[tilespmem:$0x2850] =	vst v1;
	v1 =	vand.u32 $0xFFFF, v2  }
0x66: {  	p2 =	por $0x1, $0x1;
	s2 =	simm.s32 $0xFFFFD800;
	s0 =	simm.s32 $0x0;
	[tilespmem:$0x2860] =	vst v1;
	v1 =	vand.u32 $0xFFFF, v3  }
0x67: {  	s25 =	simm.s32 $0x2800;
	s2 =	smov.u32 @p2 s0;
	[tilespmem:$0x2870] =	vst v1  }
0x68: {  	[tilespmem:s15], [sflag:$0x1] =	stream.indirect.gather [hbm4b:s5+s26], $0x80, s25, s26, $0xb8;
	[tilespmem:$0x1E480] =	vst v63  }
0x69: {  	v1 =	vld [tilespmem:s2+$0x0];
	_ =	sdelay $0x4  }
0x6a: {  	v1 =	vshrl.u32 v1, $0x10  }
0x6b: {  	v1 =	vmin.u32 v1, $0x2710  }
0x6c: {  	[tilespmem:$0x2900] =	vst v1  }
0x6d: {  	v1 =	vld [tilespmem:s2+$0x10];
	_ =	sdelay $0x4  }
0x6e: {  	v1 =	vshrl.u32 v1, $0x10  }
0x6f: {  	v1 =	vmin.u32 v1, $0x2710  }
0x70: {  	[tilespmem:$0x2910] =	vst v1  }
0x71: {  	v1 =	vld [tilespmem:s2+$0x20];
	_ =	sdelay $0x4  }
0x72: {  	v1 =	vshrl.u32 v1, $0x10  }
0x73: {  	v1 =	vmin.u32 v1, $0x2710  }
0x74: {  	[tilespmem:$0x2920] =	vst v1  }
0x75: {  	v1 =	vld [tilespmem:s2+$0x30];
	_ =	sdelay $0x4  }
0x76: {  	v1 =	vshrl.u32 v1, $0x10  }
0x77: {  	v1 =	vmin.u32 v1, $0x2710  }
0x78: {  	[tilespmem:$0x2930] =	vst v1  }
0x79: {  	v1 =	vld [tilespmem:s2+$0x40];
	_ =	sdelay $0x4  }
0x7a: {  	v1 =	vshrl.u32 v1, $0x10  }
0x7b: {  	v1 =	vmin.u32 v1, $0x2710  }
0x7c: {  	[tilespmem:$0x2940] =	vst v1  }
0x7d: {  	v1 =	vld [tilespmem:s2+$0x50];
	_ =	sdelay $0x4  }
0x7e: {  	v1 =	vshrl.u32 v1, $0x10  }
0x7f: {  	v1 =	vmin.u32 v1, $0x2710  }
0x80: {  	[tilespmem:$0x2950] =	vst v1  }
0x81: {  	v1 =	vld [tilespmem:s2+$0x60];
	_ =	sdelay $0x4  }
0x82: {  	v1 =	vshrl.u32 v1, $0x10  }
0x83: {  	v1 =	vmin.u32 v1, $0x2710  }
0x84: {  	[tilespmem:$0x2960] =	vst v1  }
0x85: {  	v1 =	vld [tilespmem:s2+$0x70];
	_ =	sdelay $0x4  }
0x86: {  	p2 =	por $0x0, $0x0;
	v1 =	vshrl.u32 v1, $0x10  }
0x87: {  	p3 =	por $0x0, $0x0;
	s6 =	simm.s32 $0x1;
	p5 =	por @!p2 $0x1, $0x1;
	v1 =	vmin.u32 v1, $0x2710  }
0x88: {  	s4 =	simm.s32 @!p2 $0x7FFFB1;
	p5 =	por !p5, p2;
	s2 =	simm.s32 @p3 $0x2;
	[tilespmem:$0x2970] =	vst v1  }
0x89: {  	p4 =	por @!p3 $0x1, $0x1;
	s6 =	smov.u32 @p5 s4;
	_ =	swait.ge @p3 [sflag:s2], $0x2680  }
0x8a: {  	p4 =	por p4, p3;
	s4 =	sshll.u32 @!p2 s6, $0x9;
	[sflag:s2] =	ssyncset.done @p3 $0x0  }
0x8b: {  	s3 =	rddreg [dreg:$0x4];
	[sflag:s2] =	ssyncadd.s32 @p3 $0xFFFFD980;
	s2 =	simm.s32 @!p4 $0x0  }
0x8c: {  	[tilespmem:s2], [sflag:$0x2] =	stream.linear.gather @!p4 [hbm4b:s3+s2], $0x2680, $0x38;
	[tilespmem:$0x1E480] =	vst v63  }
0x8d: {  	s2 =	sshra.s32 @!p2 s4, $0x2  }
0x8e: {  	v1 =	vld @!p2 [tilespmem:s2+$0x0];
	_ =	sdelay $0x2  }
0x8f: {  	s0 =	sand.u32 $0x1, s0  }
0x90: {  	s3 =	sshll.u32 @!p2 s0, $0x7  }
0x91: {  	s4 =	sxor.u32 @!p2 $0x2880, s3;
	v1 =	vand.u32 @!p2 $0xFFFF, v1  }
0x92: {  	[tilespmem:s4+$0x0] =	vst @!p2 v1  }
0x93: {  	v1 =	vld @!p2 [tilespmem:s2+$0x10];
	_ =	sdelay $0x4  }
0x94: {  	s4 =	sxor.u32 @!p2 $0x2890, s3;
	v1 =	vand.u32 @!p2 $0xFFFF, v1  }
0x95: {  	[tilespmem:s4+$0x0] =	vst @!p2 v1  }
0x96: {  	v1 =	vld @!p2 [tilespmem:s2+$0x20];
	_ =	sdelay $0x4  }
0x97: {  	s4 =	sxor.u32 @!p2 $0x28A0, s3;
	v1 =	vand.u32 @!p2 $0xFFFF, v1  }
0x98: {  	[tilespmem:s4+$0x0] =	vst @!p2 v1  }
0x99: {  	v1 =	vld @!p2 [tilespmem:s2+$0x30];
	_ =	sdelay $0x4  }
0x9a: {  	s4 =	sxor.u32 @!p2 $0x28B0, s3;
	v1 =	vand.u32 @!p2 $0xFFFF, v1  }
0x9b: {  	[tilespmem:s4+$0x0] =	vst @!p2 v1  }
0x9c: {  	v1 =	vld @!p2 [tilespmem:s2+$0x40];
	_ =	sdelay $0x4  }
0x9d: {  	s4 =	sxor.u32 @!p2 $0x28C0, s3;
	v1 =	vand.u32 @!p2 $0xFFFF, v1  }
0x9e: {  	[tilespmem:s4+$0x0] =	vst @!p2 v1  }
0x9f: {  	v1 =	vld @!p2 [tilespmem:s2+$0x50];
	_ =	sdelay $0x4  }
0xa0: {  	s4 =	sxor.u32 @!p2 $0x28D0, s3;
	v1 =	vand.u32 @!p2 $0xFFFF, v1  }
0xa1: {  	[tilespmem:s4+$0x0] =	vst @!p2 v1  }
0xa2: {  	v1 =	vld @!p2 [tilespmem:s2+$0x60];
	_ =	sdelay $0x4  }
0xa3: {  	s4 =	sxor.u32 @!p2 $0x28E0, s3;
	v1 =	vand.u32 @!p2 $0xFFFF, v1  }
0xa4: {  	[tilespmem:s4+$0x0] =	vst @!p2 v1  }
0xa5: {  	v1 =	vld @!p2 [tilespmem:s2+$0x70];
	_ =	sdelay $0x3  }
0xa6: {  	s11 =	smov.u32 s7;
	s12 =	smov.u32 s8  }
0xa7: {  	s13 =	smov.u32 s9;
	s14 =	smov.u32 s10;
	s2 =	sxor.u32 @!p2 $0x28F0, s3;
	v1 =	vand.u32 @!p2 $0xFFFF, v1  }
0xa8: {  	s28 =	simm.s32 $0x1;
	s18 =	simm.s32 $0xFFFFD880;
	s4 =	simm.s32 @!p2 $0x80;
	[tilespmem:s2+$0x0] =	vst @!p2 v1  }
0xa9: {  	s3 =	sxor.u32 @!p2 $0x1, s0;
	s0 =	sshll.u32 s0, $0xE;
	_ =	swait.ge [sflag:s29], $0x4000  }
0xaa: {  	s2 =	sshll.u32 @!p2 s3, $0xE;
	s3 =	sshll.u32 @!p2 s3, $0x7;
	[sflag:s29] =	ssyncset.done $0x0  }
0xab: {  	s2 =	sor.u32 @!p2 $0x2980, s2;
	s3 =	sor.u32 @!p2 $0x2800, s3;
	[sflag:s29] =	ssyncadd.s32 $0xFFFFC000  }
0xac: {  	[tilespmem:s2], [sflag:$0x1] =	stream.indirect.gather @!p2 [hbm4b:s5+s4], $0x80, s3, s4, $0xb8;
	[tilespmem:$0x1E480] =	vst v63  }
0xad: {  	s6 =	simm.s32 $0x100;
	s0 =	sor.u32 $0x2980, s0;
	s2 =	simm.s32 $0x80  }
0xae: {  	[spmem:s1] =	stream.indirect.scatter.add.f32 [tilespmem:s0], [sflag:$0x3], $0x80, s30, s26, $0xb8;
	[tilespmem:$0x1E480] =	vst v63  }
0xaf: {  	s3 =	simm.s32 $0x2;
	s4 =	simm.s32 $0x2;
	_ =	swait.ge [sflag:s16], $0x4000  }
.LBB2_4:
0xb0: {  	p2 =	slt.u32 s28, $0x50;
	[sflag:s16] =	ssyncset.done $0x0;
	s0 =	smov.u32 s18  }
0xb1: {  	s0 =	smov.u32 @p2 s2;
	[sflag:s16] =	ssyncadd.s32 $0xFFFFC000  }
0xb2: {  	v1 =	vld [tilespmem:s0+$0x0];
	_ =	sdelay $0x4  }
0xb3: {  	v1 =	vshrl.u32 v1, $0x10  }
0xb4: {  	v1 =	vmin.u32 v1, $0x2710  }
0xb5: {  	[tilespmem:$0x2900] =	vst v1  }
0xb6: {  	v1 =	vld [tilespmem:s0+$0x10];
	_ =	sdelay $0x4  }
0xb7: {  	v1 =	vshrl.u32 v1, $0x10  }
0xb8: {  	v1 =	vmin.u32 v1, $0x2710  }
0xb9: {  	[tilespmem:$0x2910] =	vst v1  }
0xba: {  	v1 =	vld [tilespmem:s0+$0x20];
	_ =	sdelay $0x4  }
0xbb: {  	v1 =	vshrl.u32 v1, $0x10  }
0xbc: {  	v1 =	vmin.u32 v1, $0x2710  }
0xbd: {  	[tilespmem:$0x2920] =	vst v1  }
0xbe: {  	v1 =	vld [tilespmem:s0+$0x30];
	_ =	sdelay $0x4  }
0xbf: {  	v1 =	vshrl.u32 v1, $0x10  }
0xc0: {  	v1 =	vmin.u32 v1, $0x2710  }
0xc1: {  	[tilespmem:$0x2930] =	vst v1  }
0xc2: {  	v1 =	vld [tilespmem:s0+$0x40];
	_ =	sdelay $0x4  }
0xc3: {  	v1 =	vshrl.u32 v1, $0x10  }
0xc4: {  	v1 =	vmin.u32 v1, $0x2710  }
0xc5: {  	[tilespmem:$0x2940] =	vst v1  }
0xc6: {  	v1 =	vld [tilespmem:s0+$0x50];
	_ =	sdelay $0x4  }
0xc7: {  	v1 =	vshrl.u32 v1, $0x10  }
0xc8: {  	v1 =	vmin.u32 v1, $0x2710  }
0xc9: {  	[tilespmem:$0x2950] =	vst v1  }
0xca: {  	v1 =	vld [tilespmem:s0+$0x60];
	_ =	sdelay $0x4  }
0xcb: {  	v1 =	vshrl.u32 v1, $0x10  }
0xcc: {  	v1 =	vmin.u32 v1, $0x2710  }
0xcd: {  	[tilespmem:$0x2960] =	vst v1  }
0xce: {  	v1 =	vld [tilespmem:s0+$0x70];
	_ =	sdelay $0x4  }
0xcf: {  	p3 =	seq.s32 s28, $0x9C;
	v1 =	vshrl.u32 v1, $0x10  }
0xd0: {  	p4 =	seq.s32 s28, $0x4F;
	p6 =	slt.u32 @!p3 s28, $0x4F;
	v1 =	vmin.u32 v1, $0x2710  }
0xd1: {  	s21 =	sadd.s32 @!p3 $0x7FFFB1, s28;
	p6 =	por !p6, p3;
	s0 =	simm.s32 @p4 $0x2;
	[tilespmem:$0x2970] =	vst v1  }
0xd2: {  	p5 =	sne.s32 @!p4 s28, $0x4D;
	s3 =	smov.u32 @p6 s21;
	_ =	swait.ge @p4 [sflag:s0], $0x2680  }
0xd3: {  	p5 =	por p5, p4;
	s3 =	sshll.u32 @!p3 s3, $0x9;
	[sflag:s0] =	ssyncset.done @p4 $0x0  }
0xd4: {  	s20 =	rddreg [dreg:$0x4];
	[sflag:s0] =	ssyncadd.s32 @p4 $0xFFFFD980;
	s0 =	simm.s32 @!p5 $0x0  }
0xd5: {  	[tilespmem:s0], [sflag:$0x2] =	stream.linear.gather @!p5 [hbm4b:s20+s0], $0x2680, $0x38;
	[tilespmem:$0x1E480] =	vst v63  }
0xd6: {  	s0 =	sshra.s32 @!p3 s3, $0x2  }
0xd7: {  	v1 =	vld @!p3 [tilespmem:s0+$0x0];
	_ =	sdelay $0x1  }
0xd8: {  	s19 =	sadd.s32 $0xFFFFD800, s6  }
0xd9: {  	s18 =	smov.u32 s19;
	s19 =	sand.u32 $0x1, s28  }
0xda: {  	s3 =	sshll.u32 @!p3 s19, $0x7  }
0xdb: {  	s25 =	sxor.u32 @!p3 $0x2880, s3;
	v1 =	vand.u32 @!p3 $0xFFFF, v1  }
0xdc: {  	[tilespmem:s25+$0x0] =	vst @!p3 v1  }
0xdd: {  	v1 =	vld @!p3 [tilespmem:s0+$0x10];
	_ =	sdelay $0x4  }
0xde: {  	s7 =	sxor.u32 @!p3 $0x2890, s3;
	v1 =	vand.u32 @!p3 $0xFFFF, v1  }
0xdf: {  	[tilespmem:s7+$0x0] =	vst @!p3 v1  }
0xe0: {  	v1 =	vld @!p3 [tilespmem:s0+$0x20];
	_ =	sdelay $0x4  }
0xe1: {  	s8 =	sxor.u32 @!p3 $0x28A0, s3;
	v1 =	vand.u32 @!p3 $0xFFFF, v1  }
0xe2: {  	[tilespmem:s8+$0x0] =	vst @!p3 v1  }
0xe3: {  	v1 =	vld @!p3 [tilespmem:s0+$0x30];
	_ =	sdelay $0x4  }
0xe4: {  	s9 =	sxor.u32 @!p3 $0x28B0, s3;
	v1 =	vand.u32 @!p3 $0xFFFF, v1  }
0xe5: {  	[tilespmem:s9+$0x0] =	vst @!p3 v1  }
0xe6: {  	v1 =	vld @!p3 [tilespmem:s0+$0x40];
	_ =	sdelay $0x4  }
0xe7: {  	s10 =	sxor.u32 @!p3 $0x28C0, s3;
	v1 =	vand.u32 @!p3 $0xFFFF, v1  }
0xe8: {  	[tilespmem:s10+$0x0] =	vst @!p3 v1  }
0xe9: {  	v1 =	vld @!p3 [tilespmem:s0+$0x50];
	_ =	sdelay $0x4  }
0xea: {  	s24 =	sxor.u32 @!p3 $0x28D0, s3;
	v1 =	vand.u32 @!p3 $0xFFFF, v1  }
0xeb: {  	[tilespmem:s24+$0x0] =	vst @!p3 v1  }
0xec: {  	v1 =	vld @!p3 [tilespmem:s0+$0x60];
	_ =	sdelay $0x4  }
0xed: {  	s23 =	sxor.u32 @!p3 $0x28E0, s3;
	v1 =	vand.u32 @!p3 $0xFFFF, v1  }
0xee: {  	[tilespmem:s23+$0x0] =	vst @!p3 v1  }
0xef: {  	v1 =	vld @!p3 [tilespmem:s0+$0x70];
	_ =	sdelay $0x4  }
0xf0: {  	s17 =	smov.u32 s4;
	s21 =	sxor.u32 @!p3 $0x1, s19;
	s22 =	sxor.u32 @!p3 $0x28F0, s3;
	v1 =	vand.u32 @!p3 $0xFFFF, v1  }
0xf1: {  	s4 =	sadd.s32 $0x1, s4;
	s20 =	sshll.u32 s19, $0xE;
	s3 =	sshll.u32 @!p3 s21, $0xE;
	[tilespmem:s22+$0x0] =	vst @!p3 v1  }
0xf2: {  	s19 =	sor.u32 @!p3 $0x2980, s3;
	s3 =	sshll.u32 @!p3 s21, $0x7;
	_ =	swait.ge [sflag:s29], $0x4000  }
0xf3: {  	p2 =	sne.s32 s4, $0x9D;
	s21 =	sor.u32 @!p3 $0x2800, s3;
	[sflag:s29] =	ssyncset.done $0x0  }
.Ltmp1:
0xf4: {  	s0 =	simm.s32 @!p3 $0x80;
	[sflag:s29] =	ssyncadd.s32 $0xFFFFC000;
	(pc) =	sbr.rel @p2 .LBB2_4-.Ltmp1, $4  }
0xf5: {  	[tilespmem:s19], [sflag:$0x1] =	stream.indirect.gather @!p3 [hbm4b:s5+s0], $0x80, s21, s0, $0xb8;
	[tilespmem:$0x1E480] =	vst v63  }
0xf6: {  	s2 =	smov.u32 s6;
	s28 =	smov.u32 s17;
	s25 =	sor.u32 $0x2980, s20  }
0xf7: {  	[spmem:s1] =	stream.indirect.scatter.add.f32 [tilespmem:s25], [sflag:$0x3], $0x80, s30, s26, $0xb8;
	[tilespmem:$0x1E480] =	vst v63  }
0xf8: {  	s6 =	sadd.s32 $0x80, s6;
	s3 =	smov.u32 s4;
	_ =	swait.ge [sflag:s16], $0x4000  }
0xf9: {  	p2 =	slt.u32 s28, $0x50;
	[sflag:s16] =	ssyncset.done $0x0  }
0xfa: {  	s18 =	smov.u32 @p2 s2;
	[sflag:s16] =	ssyncadd.s32 $0xFFFFC000  }
0xfb: {  	v1 =	vld [tilespmem:s18+$0x0];
	_ =	sdelay $0x4  }
0xfc: {  	v1 =	vshrl.u32 v1, $0x10  }
0xfd: {  	v1 =	vmin.u32 v1, $0x2710  }
0xfe: {  	[tilespmem:$0x2900] =	vst v1  }
0xff: {  	v1 =	vld [tilespmem:s18+$0x10];
	_ =	sdelay $0x4  }
0x100: {  	v1 =	vshrl.u32 v1, $0x10  }
0x101: {  	v1 =	vmin.u32 v1, $0x2710  }
0x102: {  	[tilespmem:$0x2910] =	vst v1  }
0x103: {  	v1 =	vld [tilespmem:s18+$0x20];
	_ =	sdelay $0x4  }
0x104: {  	v1 =	vshrl.u32 v1, $0x10  }
0x105: {  	v1 =	vmin.u32 v1, $0x2710  }
0x106: {  	[tilespmem:$0x2920] =	vst v1  }
0x107: {  	v1 =	vld [tilespmem:s18+$0x30];
	_ =	sdelay $0x4  }
0x108: {  	v1 =	vshrl.u32 v1, $0x10  }
0x109: {  	v1 =	vmin.u32 v1, $0x2710  }
0x10a: {  	[tilespmem:$0x2930] =	vst v1  }
0x10b: {  	v1 =	vld [tilespmem:s18+$0x40];
	_ =	sdelay $0x4  }
0x10c: {  	v1 =	vshrl.u32 v1, $0x10  }
0x10d: {  	v1 =	vmin.u32 v1, $0x2710  }
0x10e: {  	[tilespmem:$0x2940] =	vst v1  }
0x10f: {  	v1 =	vld [tilespmem:s18+$0x50];
	_ =	sdelay $0x4  }
0x110: {  	v1 =	vshrl.u32 v1, $0x10  }
0x111: {  	v1 =	vmin.u32 v1, $0x2710  }
0x112: {  	[tilespmem:$0x2950] =	vst v1  }
0x113: {  	v1 =	vld [tilespmem:s18+$0x60];
	_ =	sdelay $0x4  }
0x114: {  	v1 =	vshrl.u32 v1, $0x10  }
0x115: {  	v1 =	vmin.u32 v1, $0x2710  }
0x116: {  	[tilespmem:$0x2960] =	vst v1  }
0x117: {  	v1 =	vld [tilespmem:s18+$0x70];
	_ =	sdelay $0x4  }
0x118: {  	p2 =	seq.s32 s28, $0x9C;
	v1 =	vshrl.u32 v1, $0x10  }
0x119: {  	p3 =	seq.s32 s28, $0x4F;
	p5 =	slt.u32 @!p2 s28, $0x4F;
	v1 =	vmin.u32 v1, $0x2710  }
0x11a: {  	s0 =	simm.s32 @p3 $0x2;
	s4 =	sadd.s32 @!p2 $0x7FFFB1, s28;
	p5 =	por !p5, p2;
	[tilespmem:$0x2970] =	vst v1  }
0x11b: {  	p4 =	sne.s32 @!p3 s28, $0x4D;
	s3 =	smov.u32 @p5 s4;
	_ =	swait.ge @p3 [sflag:s0], $0x2680  }
0x11c: {  	p4 =	por p4, p3;
	s3 =	sshll.u32 @!p2 s3, $0x9;
	[sflag:s0] =	ssyncset.done @p3 $0x0  }
0x11d: {  	s2 =	rddreg [dreg:$0x4];
	[sflag:s0] =	ssyncadd.s32 @p3 $0xFFFFD980;
	s0 =	simm.s32 @!p4 $0x0  }
0x11e: {  	[tilespmem:s0], [sflag:$0x2] =	stream.linear.gather @!p4 [hbm4b:s2+s0], $0x2680, $0x38;
	[tilespmem:$0x1E480] =	vst v63  }
0x11f: {  	s0 =	sshra.s32 @!p2 s3, $0x2  }
0x120: {  	v1 =	vld @!p2 [tilespmem:s0+$0x0];
	_ =	sdelay $0x2  }
0x121: {  	s2 =	sand.u32 $0x1, s28  }
0x122: {  	s3 =	sshll.u32 @!p2 s2, $0x7  }
0x123: {  	s4 =	sxor.u32 @!p2 $0x2880, s3;
	v1 =	vand.u32 @!p2 $0xFFFF, v1  }
0x124: {  	[tilespmem:s4+$0x0] =	vst @!p2 v1  }
0x125: {  	v1 =	vld @!p2 [tilespmem:s0+$0x10];
	_ =	sdelay $0x4  }
0x126: {  	s4 =	sxor.u32 @!p2 $0x2890, s3;
	v1 =	vand.u32 @!p2 $0xFFFF, v1  }
0x127: {  	[tilespmem:s4+$0x0] =	vst @!p2 v1  }
0x128: {  	v1 =	vld @!p2 [tilespmem:s0+$0x20];
	_ =	sdelay $0x4  }
0x129: {  	s4 =	sxor.u32 @!p2 $0x28A0, s3;
	v1 =	vand.u32 @!p2 $0xFFFF, v1  }
0x12a: {  	[tilespmem:s4+$0x0] =	vst @!p2 v1  }
0x12b: {  	v1 =	vld @!p2 [tilespmem:s0+$0x30];
	_ =	sdelay $0x4  }
0x12c: {  	s4 =	sxor.u32 @!p2 $0x28B0, s3;
	v1 =	vand.u32 @!p2 $0xFFFF, v1  }
0x12d: {  	[tilespmem:s4+$0x0] =	vst @!p2 v1  }
0x12e: {  	v1 =	vld @!p2 [tilespmem:s0+$0x40];
	_ =	sdelay $0x4  }
0x12f: {  	s4 =	sxor.u32 @!p2 $0x28C0, s3;
	v1 =	vand.u32 @!p2 $0xFFFF, v1  }
0x130: {  	[tilespmem:s4+$0x0] =	vst @!p2 v1  }
0x131: {  	v1 =	vld @!p2 [tilespmem:s0+$0x50];
	_ =	sdelay $0x4  }
0x132: {  	s4 =	sxor.u32 @!p2 $0x28D0, s3;
	v1 =	vand.u32 @!p2 $0xFFFF, v1  }
0x133: {  	[tilespmem:s4+$0x0] =	vst @!p2 v1  }
0x134: {  	v1 =	vld @!p2 [tilespmem:s0+$0x60];
	_ =	sdelay $0x4  }
0x135: {  	s4 =	sxor.u32 @!p2 $0x28E0, s3;
	v1 =	vand.u32 @!p2 $0xFFFF, v1  }
0x136: {  	[tilespmem:s4+$0x0] =	vst @!p2 v1  }
0x137: {  	v1 =	vld @!p2 [tilespmem:s0+$0x70];
	_ =	sdelay $0x4  }
0x138: {  	s0 =	sxor.u32 @!p2 $0x28F0, s3;
	v1 =	vand.u32 @!p2 $0xFFFF, v1  }
0x139: {  	[tilespmem:s0+$0x0] =	vst @!p2 v1  }
0x13a: {  	s4 =	simm.s32 @!p2 $0x80;
	s3 =	sxor.u32 @!p2 $0x1, s2;
	_ =	swait.ge [sflag:s29], $0x4000  }
0x13b: {  	s0 =	sshll.u32 @!p2 s3, $0xE;
	s3 =	sshll.u32 @!p2 s3, $0x7;
	[sflag:s29] =	ssyncset.done $0x0  }
0x13c: {  	s0 =	sor.u32 @!p2 $0x2980, s0;
	s3 =	sor.u32 @!p2 $0x2800, s3;
	[sflag:s29] =	ssyncadd.s32 $0xFFFFC000  }
0x13d: {  	[tilespmem:s0], [sflag:$0x1] =	stream.indirect.gather @!p2 [hbm4b:s5+s4], $0x80, s3, s4, $0xb8;
	[tilespmem:$0x1E480] =	vst v63  }
0x13e: {  	s3 =	sshll.u32 s2, $0xE  }
0x13f: {  	s0 =	sor.u32 $0x2980, s3  }
0x140: {  	[spmem:s1] =	stream.indirect.scatter.add.f32 [tilespmem:s0], [sflag:$0x3], $0x80, s30, s26, $0xb8;
	[tilespmem:$0x1E480] =	vst v63  }
0x141: {  	_ =	swait.ge [sflag:s16], $0x4000  }
0x142: {  	[sflag:s16] =	ssyncset.done $0x0  }
0x143: {  	s4 =	stileid.u32;
	[sflag:s16] =	ssyncadd.s32 $0xFFFFC000  }
0x144: {  	s0 =	sshll.u32 s4, $0x6;
	[bflag:$0x0] =	sbarrier.arrive $0xFFFF  }
0x145: {  	s6 =	sshrl.u32 s11, $0x3;
	s0 =	sor.u32 $0x1C03, s0;
	s8 =	rddreg [dreg:$0xb]  }
0x146: {  	[hbm:s8], [sflag:s0] =	dma.local [spmem:s6], $0x500  }
0x147: {  	_ =	swait.ge [sflag:s16], $0x500  }
0x148: {  	[sflag:s16] =	ssyncset.done $0x0  }
0x149: {  	s9 =	sshrl.u32 s12, $0x3;
	s10 =	rddreg [dreg:$0xc];
	[sflag:s16] =	ssyncadd.s32 $0xFFFFFB00  }
0x14a: {  	[hbm:s10], [sflag:s0] =	dma.local [spmem:s9], $0x500  }
0x14b: {  	_ =	swait.ge [sflag:s16], $0x500  }
0x14c: {  	s7 =	smov.u32 s11;
	s11 =	sshrl.u32 s13, $0x3;
	[sflag:s16] =	ssyncset.done $0x0  }
0x14d: {  	s8 =	smov.u32 s12;
	s12 =	rddreg [dreg:$0xd];
	[sflag:s16] =	ssyncadd.s32 $0xFFFFFB00  }
0x14e: {  	[hbm:s12], [sflag:s0] =	dma.local [spmem:s11], $0x500  }
0x14f: {  	_ =	swait.ge [sflag:s16], $0x500  }
0x150: {  	s9 =	smov.u32 s13;
	s10 =	smov.u32 s14;
	[sflag:s16] =	ssyncset.done $0x0  }
0x151: {  	s13 =	sshrl.u32 s14, $0x3;
	s14 =	rddreg [dreg:$0xe];
	[sflag:s16] =	ssyncadd.s32 $0xFFFFFB00  }
0x152: {  	[hbm:s14], [sflag:s0] =	dma.local [spmem:s13], $0x500  }
0x153: {  	_ =	swait.ge [sflag:s16], $0x500  }
0x154: {  	[sflag:s16] =	ssyncset.done $0x0;
	s22 =	rddreg [dreg:$0x7]  }
0x155: {  	s18 =	rddreg [dreg:$0xf];
	[sflag:s16] =	ssyncadd.s32 $0xFFFFFB00;
	s17 =	sshrl.u32 s22, $0x3  }
0x156: {  	[hbm:s18], [sflag:s0] =	dma.local [spmem:s17], $0x500  }
0x157: {  	_ =	swait.ge [sflag:s16], $0x500  }
0x158: {  	[sflag:s16] =	ssyncset.done $0x0;
	s23 =	rddreg [dreg:$0x8]  }
0x159: {  	s20 =	rddreg [dreg:$0x10];
	[sflag:s16] =	ssyncadd.s32 $0xFFFFFB00;
	s19 =	sshrl.u32 s23, $0x3  }
0x15a: {  	[hbm:s20], [sflag:s0] =	dma.local [spmem:s19], $0x500  }
0x15b: {  	_ =	swait.ge [sflag:s16], $0x500  }
0x15c: {  	[sflag:s16] =	ssyncset.done $0x0;
	s24 =	rddreg [dreg:$0x9]  }
0x15d: {  	s25 =	rddreg [dreg:$0x11];
	[sflag:s16] =	ssyncadd.s32 $0xFFFFFB00;
	s21 =	sshrl.u32 s24, $0x3  }
0x15e: {  	[hbm:s25], [sflag:s0] =	dma.local [spmem:s21], $0x500  }
0x15f: {  	_ =	swait.ge [sflag:s16], $0x500  }
0x160: {  	[sflag:s16] =	ssyncset.done $0x0;
	s25 =	rddreg [dreg:$0xa]  }
0x161: {  	s3 =	rddreg [dreg:$0x12];
	[sflag:s16] =	ssyncadd.s32 $0xFFFFFB00;
	s2 =	sshrl.u32 @!p1 s25, $0x3  }
0x162: {  	[hbm:s3], [sflag:s0] =	dma.local @!p1 [spmem:s2], $0x500  }
0x163: {  	s0 =	simm.s32 @!p1 $0x3  }
0x164: {  	_ =	swait.ge @!p1 [sflag:s0], $0x500  }
0x165: {  	s31 =	sadd.s32 $0x1, s31;
	s28 =	rddreg [dreg:$0x6]  }
0x166: {  	p2 =	sne.s32 s31, s28  }
.Ltmp2:
0x167: {  	_ = 	snop;
	(pc) =	sbr.rel @p2 .LBB2_1-.Ltmp2, $3  }
0x168: {  	_ =	sdelay $0x1  }
0x169: {  	[sflag:s0] =	ssyncset.done @!p1 $0x0  }
0x16a: {  	[sflag:s0] =	ssyncadd.s32 @!p1 $0xFFFFFB00  }
0x16b: {  	_ =	sfence.sel $0x180000  }
0x16c: {  	[bflag:$0x0] =	sbarrier.arrive $0xFFFF  }
0x16d: {  	_ =	strace $0x9000004A  }
0x16e: {  	s0 =	stileid.u32;
	[bflag:$0x2] =	sbarrier.arrive $0xFFFF  }
0x16f: {  	p0 =	sne.s32 s0, $0x0;
	s0 =	rddreg [dreg:$0x3]  }
0x170: {  	s0 =	sadd.s32 @!p0 $0x100000, s0  }
0x171: {  	[sflag:s0] =	ssyncadd.tile.s32 @!p0 $0x1;
	_ =	shalt  }
.Lfunc_end2:
_tile_overlayer_lowered:
.L_overlay_start_2:
0x172: {  	(tag) =	ssettag $0x2  }
0x173: {  	s0 =	rddreg [dreg:$0x0];
	s2 =	stileid.u32  }
0x174: {  	s1 =	rddreg [dreg:$0x1];
	p0 =	sne.s32 s2, $0x0  }
0x175: {  	s3 =	rddreg [dreg:$0x2];
	[bflag:$0x3] =	sbarrier.arrive $0xFFFF;
	s2 =	simm.s32 @!p0 $0x1C03  }
0x176: {  	[timem:s3], [sflag:s2] =	dma.local @!p0 [hbm:s0], s1  }
0x177: {  	s0 =	simm.s32 @!p0 $0x3  }
0x178: {  	_ =	swait.ge @!p0 [sflag:s0], s1  }
0x179: {  	s1 =	ssub.s32 @!p0 $0x0, s1;
	[sflag:s0] =	ssyncset.done @!p0 $0x0  }
0x17a: {  	[sflag:s0] =	ssyncadd.s32 @!p0 s1  }
0x17b: {  	[bflag:$0x3] =	sbarrier.arrive $0xFFFF  }
0x17c: {  	_ =	shalt  }

</sc_bundles>
